<compile_context>
chip_gen: v7x
topology: tpu7x:2x2x1
jax: 0.10.2.dev20260603
libtpu: 0.0.44.dev20260713+nightly
codegen_flags: <defaults>
</compile_context>

<pallas_src>
import functools
import jax
import jax.numpy as jnp
from jax import lax
from jax.experimental import pallas as pl
from jax.experimental.pallas import tpu as pltpu
from jax.experimental.pallas import tpu_sc as plsc


TCHUNK = 32


def _dot(a, b, dims):
    return lax.dot_general(a, b, (dims, ((), ())),
                           preferred_element_type=jnp.float32)


def _pre_kernel(A_ref, Bp_ref, W_ref, M_ref):
    A = A_ref[...]
    v = jax.nn.sigmoid(Bp_ref[...])

    def body(d, carry):
        w, m = carry
        W_ref[pl.ds(d, 1), :, :] = w[None]
        M_ref[pl.ds(d, 1), :, :] = m[None]
        w = _dot(w, A, ((1,), (1,)))
        m = _dot(m, A, ((1,), (1,)))
        return (w, m)

    m0 = _dot(jnp.eye(16, dtype=jnp.float32), A, ((1,), (1,)))
    lax.fori_loop(0, TCHUNK, body, (v, m0))


def _precompute(A, Bp2):
    T = TCHUNK
    return pl.pallas_call(
        _pre_kernel,
        out_shape=(jax.ShapeDtypeStruct((T, 1, 16), jnp.float32),
                   jax.ShapeDtypeStruct((T, 16, 16), jnp.float32)),
    )(A, Bp2)


def _proj_kernel(x_ref, rw_ref, Win_ref, bin_ref, out_ref):
    xb = x_ref[0]
    C = xb.shape[-1]
    nx = jnp.sqrt(jnp.sum(xb * xb, axis=-1, keepdims=True))
    rms = nx * (C ** -0.5)
    xn = rw_ref[...][None, :] * (xb / (rms + 1e-6))
    xp = _dot(xn, Win_ref[...], ((1,), (1,))) + bin_ref[...][None, :]
    out_ref[0] = xp


def _proj_in(x, rms_weight, W_in, b_in):
    B, L, C = x.shape
    E = W_in.shape[0]
    TL = 512
    return pl.pallas_call(
        _proj_kernel,
        grid=(B, L // TL),
        in_specs=[
            pl.BlockSpec((1, TL, C), lambda b, l: (b, l, 0)),
            pl.BlockSpec((C,), lambda b, l: (0,)),
            pl.BlockSpec((E, C), lambda b, l: (0, 0)),
            pl.BlockSpec((E,), lambda b, l: (0,)),
        ],
        out_specs=pl.BlockSpec((1, TL, E), lambda b, l: (b, l, 0)),
        out_shape=jax.ShapeDtypeStruct((B, L, E), jnp.float32),
    )(x, rms_weight, W_in, b_in)


def _sel_kernel(p_ref, rank_ref, idx_ref, *, L, KPAD):
    p_row = p_ref[0]
    p_col = p_row.reshape(L, 1)
    JC = 512
    ii_col = lax.broadcasted_iota(jnp.int32, (L, 1), 0)
    acc = jnp.zeros((L, 1), jnp.int32)
    for jc in range(L // JC):
        pj = p_row[:, jc * JC:(jc + 1) * JC]
        jj = lax.broadcasted_iota(jnp.int32, (L, JC), 1) + jc * JC
        gt = (pj > p_col).astype(jnp.int32)
        tie = ((pj == p_col) & (jj < ii_col)).astype(jnp.int32)
        acc = acc + jnp.sum(gt + tie, axis=1, dtype=jnp.int32).reshape(L, 1)
    rank_ref[0] = acc.reshape(1, L)
    RC = 128
    for rc in range(KPAD // RC):
        rr = lax.broadcasted_iota(jnp.int32, (L, RC), 1) + rc * RC
        eq = (acc == rr).astype(jnp.int32)
        contrib = jnp.sum(eq * ii_col, axis=0, dtype=jnp.int32)
        idx_ref[0, 0, rc * RC:(rc + 1) * RC] = contrib.reshape(RC)


def _select(p, KPAD):
    B, _, L = p.shape
    return pl.pallas_call(
        functools.partial(_sel_kernel, L=L, KPAD=KPAD),
        grid=(B,),
        in_specs=[pl.BlockSpec((1, 1, L), lambda b: (b, 0, 0))],
        out_specs=(pl.BlockSpec((1, 1, L), lambda b: (b, 0, 0)),
                   pl.BlockSpec((1, 1, KPAD), lambda b: (b, 0, 0))),
        out_shape=(jax.ShapeDtypeStruct((B, 1, L), jnp.int32),
                   jax.ShapeDtypeStruct((B, 1, KPAD), jnp.int32)),
    )(p)


def _gather_sc(table, gidx):
    info = plsc.get_sparse_core_info()
    NW = info.num_cores * info.num_subcores
    Btot = gidx.shape[0]
    D = table.shape[1]
    b_per_w = Btot // NW
    mesh = plsc.VectorSubcoreMesh(core_axis_name="c", subcore_axis_name="s")

    @functools.partial(
        pl.kernel, mesh=mesh,
        out_type=jax.ShapeDtypeStruct((Btot, D), jnp.float32),
        scratch_types=[
            pltpu.VMEM((b_per_w,), jnp.int32),
            pltpu.VMEM((b_per_w, D), jnp.float32),
            pltpu.SemaphoreType.DMA,
        ],
    )
    def k(table_hbm, idx_hbm, out_hbm, idx_v, rows_v, sem):
        wid = lax.axis_index("s") * info.num_cores + lax.axis_index("c")
        base = wid * b_per_w
        pltpu.sync_copy(idx_hbm.at[pl.ds(base, b_per_w)], idx_v)
        pltpu.async_copy(table_hbm.at[idx_v], rows_v, sem).wait()
        pltpu.sync_copy(rows_v, out_hbm.at[pl.ds(base, b_per_w)])

    return k(table, gidx)


def _scan_kernel(xs_ref, cwb_ref, Sc_ref, Tc_ref, W2_ref, Mc_ref, MT_ref,
                 Wr_ref, CpT_ref, Wout_ref, bout_ref, out_ref,
                 h_ref, tail_ref):
    c = pl.program_id(1)
    T = TCHUNK
    E = xs_ref.shape[2]

    @pl.when(c == 0)
    def _init():
        h_ref[...] = jnp.zeros_like(h_ref)
        tail_ref[...] = jnp.zeros_like(tail_ref)

    xs = xs_ref[0, pl.ds(c * T, T), :]
    shifted = (_dot(Sc_ref[...], xs, ((1,), (0,)))
               + _dot(Tc_ref[...], tail_ref[...], ((1,), (0,))))
    cwb = cwb_ref[...]
    xc = (cwb[0:1, :] * shifted[0:T, :]
          + cwb[1:2, :] * shifted[T:2 * T, :]
          + cwb[2:3, :] * shifted[2 * T:3 * T, :]
          + cwb[3:4, :] * shifted[3 * T:4 * T, :])
    tail_ref[...] = xs[T - 8:T]

    hT = h_ref[...]
    Z = (_dot(W2_ref[...], xc, ((1,), (0,)))
         + _dot(Mc_ref[...], hT, ((1,), (0,))))
    cT = jax.nn.sigmoid(CpT_ref[...])
    y = cT[0:1, :] * Z[0:T, :]
    for n in range(1, 16):
        y = y + cT[n:n + 1, :] * Z[n * T:(n + 1) * T, :]
    h_new = (_dot(MT_ref[...], hT, ((0,), (0,)))
             + _dot(Wr_ref[...], xc, ((1,), (0,))))
    h_ref[...] = h_new
    out_ref[0] = _dot(y, Wout_ref[...], ((1,), (1,))) + bout_ref[...][None, :]


def _scan(x_sparse, cwb, Scat, Tcat, W2, Mcat2, MT, WrevT, CpT,
          W_out, b_out):
    B, KPAD, E = x_sparse.shape
    T = TCHUNK
    NC = KPAD // T
    DIMO = W_out.shape[0]
    full = lambda a: pl.BlockSpec(a.shape, lambda b, c: (0,) * a.ndim)
    return pl.pallas_call(
        _scan_kernel,
        grid=(B, NC),
        in_specs=[
            pl.BlockSpec((1, KPAD, E), lambda b, c: (b, 0, 0)),
            full(cwb), full(Scat), full(Tcat), full(W2), full(Mcat2),
            full(MT), full(WrevT), full(CpT), full(W_out), full(b_out),
        ],
        out_specs=pl.BlockSpec((1, T, DIMO), lambda b, c: (b, c, 0)),
        out_shape=jax.ShapeDtypeStruct((B, KPAD, DIMO), jnp.float32),
        scratch_shapes=[pltpu.VMEM((16, E), jnp.float32),
                        pltpu.VMEM((8, E), jnp.float32)],
    )(x_sparse, cwb, Scat, Tcat, W2, Mcat2, MT, WrevT, CpT, W_out, b_out)


def _scatter_kernel(rank_ref, xp_ref, x_ref, out_ref, *, K, KPAD):
    TL = x_ref.shape[1]
    rank = rank_ref[0].reshape(TL, 1)
    out_ref[0] = x_ref[0]
    RC = 128
    for rc in range(KPAD // RC):
        rr = lax.broadcasted_iota(jnp.int32, (TL, RC), 1) + rc * RC
        Q = ((rank == rr) & (rank < K)).astype(jnp.float32)
        out_ref[0] += _dot(Q, xp_ref[0, rc * RC:(rc + 1) * RC, :],
                           ((1,), (0,)))


def _scatter(rank, x_processed, x, K):
    B, L, C = x.shape
    KPAD = x_processed.shape[1]
    TL = 512
    return pl.pallas_call(
        functools.partial(_scatter_kernel, K=K, KPAD=KPAD),
        grid=(B, L // TL),
        in_specs=[
            pl.BlockSpec((1, 1, TL), lambda b, l: (b, 0, l)),
            pl.BlockSpec((1, KPAD, C), lambda b, l: (b, 0, 0)),
            pl.BlockSpec((1, TL, C), lambda b, l: (b, l, 0)),
        ],
        out_specs=pl.BlockSpec((1, TL, C), lambda b, l: (b, l, 0)),
        out_shape=jax.ShapeDtypeStruct((B, L, C), jnp.float32),
    )(rank, x_processed, x)


def kernel(x, rms_weight, W_in, b_in, conv_w, A, Bp, Cp, W_out, b_out):
    B, L, C = x.shape
    E = W_in.shape[0]
    K = max(1, int(L * 0.3))
    T = TCHUNK
    KPAD = ((K + T - 1) // T) * T

    Wmat, Mstack = _precompute(A, Bp.reshape(1, -1))
    Wmat = Wmat.reshape(T, 16)
    t_ = jnp.arange(T)[:, None]
    s_ = jnp.arange(T)[None, :]
    d_ = t_ - s_
    W3 = jnp.where(d_[..., None] >= 0, Wmat[d_.clip(0)], 0.0)
    W2 = jnp.transpose(W3, (2, 0, 1)).reshape(16 * T, T)
    Mcat2 = jnp.transpose(Mstack, (2, 0, 1)).reshape(16 * T, 16)
    MT = Mstack[T - 1]
    WrevT = Wmat[::-1].T
    CpT = Cp.T
    cwb = conv_w.T[::-1]
    Scat = jnp.concatenate(
        [jnp.eye(T, T, k=-j, dtype=jnp.float32) for j in range(4)], axis=0)
    Tcat = jnp.concatenate(
        [jnp.eye(T, 8, k=8 - j, dtype=jnp.float32) for j in range(4)], axis=0)

    x_proj = _proj_in(x, rms_weight, W_in, b_in)
    norm_x = jnp.linalg.norm(x, axis=-1, keepdims=True)
    rms = norm_x * (C ** -0.5)
    x_norm = rms_weight * (x / (rms + 1e-6))
    xps = x_norm @ W_in.T + b_in
    centers = xps[:, L // 2:L // 2 + 1, :]
    xpn = xps / jnp.clip(jnp.linalg.norm(xps, axis=-1, keepdims=True), 1e-12)
    cn = centers / jnp.clip(
        jnp.linalg.norm(centers, axis=-1, keepdims=True), 1e-12)
    simv = jnp.squeeze(xpn @ jnp.swapaxes(cn, -1, -2), -1)
    p = jax.nn.softmax(simv, axis=-1)[:, None, :]
    rank, idx = _select(p, KPAD)
    gidx = (jnp.arange(B, dtype=jnp.int32)[:, None] * L
            + idx[:, 0, :]).reshape(B * KPAD)
    x_sparse = _gather_sc(x_proj.reshape(B * L, E), gidx)
    x_sparse = x_sparse.reshape(B, KPAD, E)
    x_processed = _scan(x_sparse, cwb, Scat, Tcat, W2, Mcat2, MT, WrevT,
                        CpT, W_out, b_out)
    out = _scatter(rank, x_processed, x, K)
    return out

# --- scband reference (transcript-rebuilt; emitter-appended) ---
"""Pipeline reference for scband-change-detection-mamba-39633958208120 (READ-ONLY COPY).

The authoritative reference and input builder live on the scoring server;
editing this copy changes nothing except your own understanding.
"""

import jax, jax.numpy as jnp
import numpy as np

DIM = 768
EXPAND = 2
EXP = DIM * EXPAND
DSTATE = 16
DCONV = 4
SPARSITY = 0.3


def setup_inputs(seed: int = 0) -> dict:
    key = jax.random.key(seed)
    ks = jax.random.split(key, 10)
    B, L = 2, 2048
    x = jax.random.normal(ks[0], (B, L, DIM), dtype=jnp.float32)
    rms_weight = jnp.ones((DIM,), dtype=jnp.float32)
    W_in = jax.random.normal(ks[1], (EXP, DIM), dtype=jnp.float32) * 0.02
    b_in = jnp.zeros((EXP,), dtype=jnp.float32)
    conv_w = jax.random.normal(ks[2], (EXP, DCONV), dtype=jnp.float32) * 0.1
    A = jax.random.normal(ks[3], (DSTATE, DSTATE), dtype=jnp.float32) * 0.02
    Bp = jax.random.normal(ks[4], (1, 1, DSTATE), dtype=jnp.float32) * 0.02
    Cp = jax.random.normal(ks[5], (EXP, DSTATE), dtype=jnp.float32) * 0.02
    W_out = jax.random.normal(ks[6], (DIM, EXP), dtype=jnp.float32) * 0.02
    b_out = jnp.zeros((DIM,), dtype=jnp.float32)
    return {"x": x, "rms_weight": rms_weight, "W_in": W_in, "b_in": b_in,
            "conv_w": conv_w, "A": A, "Bp": Bp, "Cp": Cp, "W_out": W_out, "b_out": b_out}


def reference(x, rms_weight, W_in, b_in, conv_w, A, Bp, Cp, W_out, b_out):
    B, L, C = x.shape
    residual = x
    # RMSNorm
    norm_x = jnp.linalg.norm(x, axis=-1, keepdims=True)
    rms = norm_x * (C ** -0.5)
    x_norm = rms_weight * (x / (rms + 1e-6))
    # proj_in
    x_proj = x_norm @ W_in.T + b_in
    # center-similarity based token selection
    center_idx = L // 2
    center = x_proj[:, center_idx:center_idx + 1, :]
    xpn = x_proj / jnp.clip(jnp.linalg.norm(x_proj, axis=-1, keepdims=True), 1e-12)
    cn = center / jnp.clip(jnp.linalg.norm(center, axis=-1, keepdims=True), 1e-12)
    sim = jnp.squeeze(xpn @ jnp.swapaxes(cn, -1, -2), -1)
    sim = jax.nn.softmax(sim, axis=-1)
    k = max(1, int(L * SPARSITY))
    _, topk_idx = jax.lax.top_k(sim, k)
    # gather selected tokens
    x_sparse = jnp.take_along_axis(x_proj, topk_idx[:, :, None], axis=1)
    # depthwise causal conv1d (torch Conv1d padding=d_conv-1, keep first k outputs)
    xpad = jnp.pad(x_sparse, ((0, 0), (DCONV - 1, 0), (0, 0)))
    x_conv = jnp.zeros_like(x_sparse)
    for j in range(DCONV):
        x_conv = x_conv + conv_w[:, j][None, None, :] * xpad[:, j:j + k, :]
    # selective state-space recurrence over the k selected tokens
    def step(h, xt):
        Bx = jax.nn.sigmoid(Bp) * xt[:, :, None]
        h = jnp.einsum('ben,mn->bem', h, A) + Bx
        out_t = (h * jax.nn.sigmoid(Cp)[None]).sum(-1)
        return h, out_t
    h0 = jnp.zeros((B, EXP, DSTATE), dtype=x.dtype)
    _, outs = jax.lax.scan(step, h0, jnp.swapaxes(x_conv, 0, 1))
    x_processed = jnp.swapaxes(outs, 0, 1) @ W_out.T + b_out
    # scatter processed tokens back into full-length sequence
    out = jnp.zeros((B, L, C), dtype=x.dtype).at[jnp.arange(B)[:, None], topk_idx].set(x_processed)
    return out + residual

if __name__ == "__main__":
    import jax
    _d = setup_inputs()
    print(jax.jit(kernel)(*tuple(_d.values())))

</pallas_src>

<mosaic_0001>
#map = affine_map<(d0, d1) -> (0, 0)>
#map1 = affine_map<(d0, d1) -> (0)>
module attributes {stable_mosaic.version = 14 : i64} {
  func.func @k(%arg0: i32, %arg1: i32, %arg2: memref<4096x1536xf32, #tpu.memory_space<hbm>>, %arg3: memref<1280xi32, #tpu.memory_space<hbm>>, %arg4: memref<1280x1536xf32, #tpu.memory_space<hbm>>, %arg5: memref<40xi32, #tpu.memory_space<vmem>>, %arg6: memref<40x1536xf32, #tpu.memory_space<vmem>>, %arg7: memref<!tpu.dma_semaphore, #tpu.memory_space<semaphore_mem>>) attributes {dimension_semantics = [#tpu.dimension_semantics<core_parallel>, #tpu.dimension_semantics<subcore_parallel>], iteration_bounds = array<i64: 2, 16>, scalar_prefetch = 0 : i64, scratch_operands = 3 : i64, tpu.core_type = #tpu.core_type<sc_vector_subcore>, window_params = [{transform_indices = #map}, {transform_indices = #map1}, {transform_indices = #map}]} {
    %mul3A = arith.constant 2 : i32
    %mul3A_0 = arith.muli %arg1, %mul3A : i32
    %add3A = arith.addi %mul3A_0, %arg0 : i32
    %mul3A_1 = arith.constant 40 : i32
    %mul3A_2 = arith.muli %add3A, %mul3A_1 : i32
    "tpu.region"() ({
      %run_scoped3A = tpu.sem_alloc : memref<!tpu.dma_semaphore, #tpu.memory_space<semaphore_mem>>
      %dma_start3A_7 = tpu.memref_slice %arg3[%mul3A_2] : memref<1280xi32, #tpu.memory_space<hbm>> -> memref<40xi32, #tpu.memory_space<hbm>>
      %dma_start3A_8 = tpu.memref_slice %arg3[%mul3A_2] : memref<1280xi32, #tpu.memory_space<hbm>> -> memref<40xi32, #tpu.memory_space<hbm>>
      tpu.enqueue_dma source(%dma_start3A_8 : memref<40xi32, #tpu.memory_space<hbm>>) target(%arg5 : memref<40xi32, #tpu.memory_space<vmem>>) target_semaphore(%run_scoped3A : memref<!tpu.dma_semaphore, #tpu.memory_space<semaphore_mem>>)
      %dma_wait3A_9 = tpu.memref_slice %arg3[%mul3A_2] : memref<1280xi32, #tpu.memory_space<hbm>> -> memref<40xi32, #tpu.memory_space<hbm>>
      %dma_wait3A_10 = tpu.memref_slice %arg3[%mul3A_2] : memref<1280xi32, #tpu.memory_space<hbm>> -> memref<40xi32, #tpu.memory_space<hbm>>
      tpu.wait_dma2 semaphore(%run_scoped3A : memref<!tpu.dma_semaphore, #tpu.memory_space<semaphore_mem>>) src(%dma_wait3A_10 : memref<40xi32, #tpu.memory_space<hbm>>) dst(%arg5 : memref<40xi32, #tpu.memory_space<vmem>>)
      tpu.yield
    }) : () -> ()
    %dma_start3A = arith.constant 0 : i32
    %dma_start3A_3 = arith.constant 0 : i32
    %dma_start3A_4 = tpu.memref_slice %arg2[%dma_start3A, %dma_start3A_3] : memref<4096x1536xf32, #tpu.memory_space<hbm>> -> memref<4096x1536xf32, #tpu.memory_space<hbm>>
    tpu.enqueue_indirect_dma source(%dma_start3A_4 : memref<4096x1536xf32, #tpu.memory_space<hbm>>) target(%arg6 : memref<40x1536xf32, #tpu.memory_space<vmem>>) offsets(%arg5 : memref<40xi32, #tpu.memory_space<vmem>>) semaphore(%arg7 : memref<!tpu.dma_semaphore, #tpu.memory_space<semaphore_mem>>)
    %dma_wait3A = arith.constant 0 : i32
    %dma_wait3A_5 = arith.constant 0 : i32
    %dma_wait3A_6 = tpu.memref_slice %arg2[%dma_wait3A, %dma_wait3A_5] : memref<4096x1536xf32, #tpu.memory_space<hbm>> -> memref<4096x1536xf32, #tpu.memory_space<hbm>>
    tpu.wait_indirect_dma semaphore(%arg7 : memref<!tpu.dma_semaphore, #tpu.memory_space<semaphore_mem>>) src(%dma_wait3A_6 : memref<4096x1536xf32, #tpu.memory_space<hbm>>) dst(%arg6 : memref<40x1536xf32, #tpu.memory_space<vmem>>)
    "tpu.region"() ({
      %run_scoped3A = tpu.sem_alloc : memref<!tpu.dma_semaphore, #tpu.memory_space<semaphore_mem>>
      %dma_start3A_7 = arith.constant 0 : i32
      %dma_start3A_8 = tpu.memref_slice %arg4[%mul3A_2, %dma_start3A_7] : memref<1280x1536xf32, #tpu.memory_space<hbm>> -> memref<40x1536xf32, #tpu.memory_space<hbm>>
      %dma_start3A_9 = arith.constant 0 : i32
      %dma_start3A_10 = tpu.memref_slice %arg4[%mul3A_2, %dma_start3A_9] : memref<1280x1536xf32, #tpu.memory_space<hbm>> -> memref<40x1536xf32, #tpu.memory_space<hbm>>
      tpu.enqueue_dma source(%arg6 : memref<40x1536xf32, #tpu.memory_space<vmem>>) target(%dma_start3A_10 : memref<40x1536xf32, #tpu.memory_space<hbm>>) target_semaphore(%run_scoped3A : memref<!tpu.dma_semaphore, #tpu.memory_space<semaphore_mem>>)
      %dma_wait3A_11 = arith.constant 0 : i32
      %dma_wait3A_12 = tpu.memref_slice %arg4[%mul3A_2, %dma_wait3A_11] : memref<1280x1536xf32, #tpu.memory_space<hbm>> -> memref<40x1536xf32, #tpu.memory_space<hbm>>
      %dma_wait3A_13 = arith.constant 0 : i32
      %dma_wait3A_14 = tpu.memref_slice %arg4[%mul3A_2, %dma_wait3A_13] : memref<1280x1536xf32, #tpu.memory_space<hbm>> -> memref<40x1536xf32, #tpu.memory_space<hbm>>
      tpu.wait_dma2 semaphore(%run_scoped3A : memref<!tpu.dma_semaphore, #tpu.memory_space<semaphore_mem>>) src(%arg6 : memref<40x1536xf32, #tpu.memory_space<vmem>>) dst(%dma_wait3A_14 : memref<40x1536xf32, #tpu.memory_space<hbm>>)
      tpu.yield
    }) : () -> ()
    return
  }
}

module attributes {stable_mosaic.version = 14 : i64} {
  func.func @_proj_kernel(%arg0: i32, %arg1: i32, %arg2: memref<1x512x768xf32, #tpu.memory_space<vmem>>, %arg3: memref<768xf32, #tpu.memory_space<vmem>>, %arg4: memref<1536x768xf32, #tpu.memory_space<vmem>>, %arg5: memref<1536xf32, #tpu.memory_space<vmem>>, %arg6: memref<1x512x1536xf32, #tpu.memory_space<vmem>>) attributes {dimension_semantics = [#tpu.dimension_semantics<arbitrary>, #tpu.dimension_semantics<arbitrary>], iteration_bounds = array<i64: 2, 4>, scalar_prefetch = 0 : i64, scratch_operands = 0 : i64, tpu.core_type = #tpu.core_type<tc>, window_params = [{transform_indices = @transform_0, window_bounds = array<i64: 1, 512, 768>}, {pipeline_mode = #tpu.pipeline_mode<synchronous>, transform_indices = @transform_1, window_bounds = array<i64: 768>}, {pipeline_mode = #tpu.pipeline_mode<synchronous>, transform_indices = @transform_2, window_bounds = array<i64: 1536, 768>}, {pipeline_mode = #tpu.pipeline_mode<synchronous>, transform_indices = @transform_3, window_bounds = array<i64: 1536>}, {transform_indices = @transform_4, window_bounds = array<i64: 1, 512, 1536>}]} {
    %get3A = arith.constant 0 : index
    %get3A_0 = arith.constant 0 : index
    %get3A_1 = arith.constant 0 : index
    %get3A_2 = vector.load %arg2[%get3A, %get3A_0, %get3A_1] : memref<1x512x768xf32, #tpu.memory_space<vmem>>, vector<1x512x768xf32>
    %get3A_3 = vector.shape_cast %get3A_2 : vector<1x512x768xf32> to vector<512x768xf32>
    %mul3A = arith.mulf %get3A_3, %get3A_3 : vector<512x768xf32>
    %reduce_sum3A = arith.constant dense<0.000000e+00> : vector<512xf32>
    %reduce_sum3A_4 = vector.multi_reduction <add>, %mul3A, %reduce_sum3A [1] : vector<512x768xf32> to vector<512xf32>
    %broadcast_in_dim3A = vector.shape_cast %reduce_sum3A_4 : vector<512xf32> to vector<512x1xf32>
    %sqrt3A = math.sqrt %broadcast_in_dim3A : vector<512x1xf32>
    %mul3A_5 = arith.constant 0.0360843912 : f32
    %mul3A_6 = vector.broadcast %mul3A_5 : f32 to vector<512x1xf32>
    %mul3A_7 = arith.mulf %sqrt3A, %mul3A_6 : vector<512x1xf32>
    %get3A_8 = arith.constant 0 : index
    %get3A_9 = vector.load %arg3[%get3A_8] : memref<768xf32, #tpu.memory_space<vmem>>, vector<768xf32>
    %broadcast_in_dim3A_10 = vector.shape_cast %get3A_9 : vector<768xf32> to vector<1x768xf32>
    %add3A = arith.constant 9.99999997E-7 : f32
    %add3A_11 = vector.broadcast %add3A : f32 to vector<512x1xf32>
    %add3A_12 = arith.addf %mul3A_7, %add3A_11 : vector<512x1xf32>
    %div3A = vector.broadcast %add3A_12 : vector<512x1xf32> to vector<512x768xf32>
    %div3A_13 = arith.divf %get3A_3, %div3A : vector<512x768xf32>
    %mul3A_14 = vector.broadcast %broadcast_in_dim3A_10 : vector<1x768xf32> to vector<512x768xf32>
    %mul3A_15 = arith.mulf %mul3A_14, %div3A_13 : vector<512x768xf32>
    %get3A_16 = arith.constant 0 : index
    %get3A_17 = arith.constant 0 : index
    %get3A_18 = vector.load %arg4[%get3A_16, %get3A_17] : memref<1536x768xf32, #tpu.memory_space<vmem>>, vector<1536x768xf32>
    %dot_general3A = arith.constant dense<0.000000e+00> : vector<512x1536xf32>
    %dot_general3A_19 = tpu.matmul %mul3A_15, %get3A_18, %dot_general3A {dimension_numbers = #tpu.dot_dimension_numbers<[1], [1], [0], [0], [0, 0, 1, 0], [], []>, transpose_lhs_hint = false} : vector<512x768xf32>, vector<1536x768xf32>, vector<512x1536xf32> -> vector<512x1536xf32>
    %get3A_20 = arith.constant 0 : index
    %get3A_21 = vector.load %arg5[%get3A_20] : memref<1536xf32, #tpu.memory_space<vmem>>, vector<1536xf32>
    %broadcast_in_dim3A_22 = vector.shape_cast %get3A_21 : vector<1536xf32> to vector<1x1536xf32>
    %add3A_23 = vector.broadcast %broadcast_in_dim3A_22 : vector<1x1536xf32> to vector<512x1536xf32>
    %add3A_24 = arith.addf %dot_general3A_19, %add3A_23 : vector<512x1536xf32>
    %swap3A = arith.constant 0 : index
    %swap3A_25 = arith.constant 0 : index
    %swap3A_26 = arith.constant 0 : index
    %swap3A_27 = vector.load %arg6[%swap3A, %swap3A_25, %swap3A_26] : memref<1x512x1536xf32, #tpu.memory_space<vmem>>, vector<1x512x1536xf32>
    %swap3A_28 = vector.shape_cast %swap3A_27 : vector<1x512x1536xf32> to vector<512x1536xf32>
    %swap3A_29 = vector.shape_cast %add3A_24 : vector<512x1536xf32> to vector<1x512x1536xf32>
    tpu.vector_store %arg6[%swap3A, %swap3A_25, %swap3A_26], %swap3A_29 {strides = array<i32>} : memref<1x512x1536xf32, #tpu.memory_space<vmem>>, vector<1x512x1536xf32>,
    return
  }
  func.func @transform_0(%arg0: i32, %arg1: i32) -> (i32, i32, i32) {
    %c0_i32 = arith.constant 0 : i32
    %c0_i32_0 = arith.constant 0 : i32
    return %arg0, %arg1, %c0_i32 : i32, i32, i32
  }
  func.func @transform_1(%arg0: i32, %arg1: i32) -> i32 {
    %c0_i32 = arith.constant 0 : i32
    %c0_i32_0 = arith.constant 0 : i32
    return %c0_i32 : i32
  }
  func.func @transform_2(%arg0: i32, %arg1: i32) -> (i32, i32) {
    %c0_i32 = arith.constant 0 : i32
    %c0_i32_0 = arith.constant 0 : i32
    %c0_i32_1 = arith.constant 0 : i32
    return %c0_i32, %c0_i32_0 : i32, i32
  }
  func.func @transform_3(%arg0: i32, %arg1: i32) -> i32 {
    %c0_i32 = arith.constant 0 : i32
    %c0_i32_0 = arith.constant 0 : i32
    return %c0_i32 : i32
  }
  func.func @transform_4(%arg0: i32, %arg1: i32) -> (i32, i32, i32) {
    %c0_i32 = arith.constant 0 : i32
    %c0_i32_0 = arith.constant 0 : i32
    return %arg0, %arg1, %c0_i32 : i32, i32, i32
  }
}

module attributes {stable_mosaic.version = 14 : i64} {
  func.func @_sel_kernel(%arg0: i32, %arg1: memref<1x1x2048xf32, #tpu.memory_space<vmem>>, %arg2: memref<1x1x2048xi32, #tpu.memory_space<vmem>>, %arg3: memref<1x1x640xi32, #tpu.memory_space<vmem>>) attributes {dimension_semantics = [#tpu.dimension_semantics<arbitrary>], iteration_bounds = array<i64: 2>, scalar_prefetch = 0 : i64, scratch_operands = 0 : i64, tpu.core_type = #tpu.core_type<tc>, window_params = [{transform_indices = @transform_0, window_bounds = array<i64: 1, 1, 2048>}, {transform_indices = @transform_1, window_bounds = array<i64: 1, 1, 2048>}, {transform_indices = @transform_2, window_bounds = array<i64: 1, 1, 640>}]} {
    %get3A = arith.constant 0 : index
    %get3A_0 = arith.constant 0 : index
    %get3A_1 = arith.constant 0 : index
    %get3A_2 = vector.load %arg1[%get3A, %get3A_0, %get3A_1] : memref<1x1x2048xf32, #tpu.memory_space<vmem>>, vector<1x1x2048xf32>
    %get3A_3 = vector.shape_cast %get3A_2 : vector<1x1x2048xf32> to vector<1x2048xf32>
    %reshape3A = vector.shape_cast %get3A_3 : vector<1x2048xf32> to vector<2048x1xf32>
    %iota3A = tpu.iota {dimensions = array<i32: 0>} : vector<2048x1xi32>
    %broadcast_in_dim3A = arith.constant 0 : i32
    %broadcast_in_dim3A_4 = vector.broadcast %broadcast_in_dim3A : i32 to vector<2048x1xi32>
    %slice3A = vector.extract_strided_slice %get3A_3 {offsets = [0, 0], sizes = [1, 512], strides = [1, 1]} : vector<1x2048xf32> to vector<1x512xf32>
    %iota3A_5 = tpu.iota {dimensions = array<i32: 1>} : vector<2048x512xi32>
    %add3A = arith.constant 0 : i32
    %add3A_6 = vector.broadcast %add3A : i32 to vector<2048x512xi32>
    %add3A_7 = arith.addi %iota3A_5, %add3A_6 : vector<2048x512xi32>
    %gt3A = vector.broadcast %slice3A : vector<1x512xf32> to vector<2048x512xf32>
    %gt3A_8 = vector.broadcast %reshape3A : vector<2048x1xf32> to vector<2048x512xf32>
    %gt3A_9 = arith.cmpf ogt, %gt3A, %gt3A_8 : vector<2048x512xf32>
    %convert_element_type3A = arith.extui %gt3A_9 : vector<2048x512xi1> to vector<2048x512xi32>
    %eq3A = vector.broadcast %slice3A : vector<1x512xf32> to vector<2048x512xf32>
    %eq3A_10 = vector.broadcast %reshape3A : vector<2048x1xf32> to vector<2048x512xf32>
    %eq3A_11 = arith.cmpf oeq, %eq3A, %eq3A_10 : vector<2048x512xf32>
    %lt3A = vector.broadcast %iota3A : vector<2048x1xi32> to vector<2048x512xi32>
    %lt3A_12 = arith.cmpi slt, %add3A_7, %lt3A : vector<2048x512xi32>
    %and3A = arith.andi %eq3A_11, %lt3A_12 : vector<2048x512xi1>
    %convert_element_type3A_13 = arith.extui %and3A : vector<2048x512xi1> to vector<2048x512xi32>
    %add3A_14 = arith.addi %convert_element_type3A, %convert_element_type3A_13 : vector<2048x512xi32>
    %reduce_sum3A = arith.constant dense<0> : vector<2048xi32>
    %reduce_sum3A_15 = vector.multi_reduction <add>, %add3A_14, %reduce_sum3A [1] : vector<2048x512xi32> to vector<2048xi32>
    %reshape3A_16 = vector.shape_cast %reduce_sum3A_15 : vector<2048xi32> to vector<2048x1xi32>
    %add3A_17 = arith.addi %broadcast_in_dim3A_4, %reshape3A_16 : vector<2048x1xi32>
    %slice3A_18 = vector.extract_strided_slice %get3A_3 {offsets = [0, 512], sizes = [1, 512], strides = [1, 1]} : vector<1x2048xf32> to vector<1x512xf32>
    %iota3A_19 = tpu.iota {dimensions = array<i32: 1>} : vector<2048x512xi32>
    %add3A_20 = arith.constant 512 : i32
    %add3A_21 = vector.broadcast %add3A_20 : i32 to vector<2048x512xi32>
    %add3A_22 = arith.addi %iota3A_19, %add3A_21 : vector<2048x512xi32>
    %gt3A_23 = vector.broadcast %slice3A_18 : vector<1x512xf32> to vector<2048x512xf32>
    %gt3A_24 = vector.broadcast %reshape3A : vector<2048x1xf32> to vector<2048x512xf32>
    %gt3A_25 = arith.cmpf ogt, %gt3A_23, %gt3A_24 : vector<2048x512xf32>
    %convert_element_type3A_26 = arith.extui %gt3A_25 : vector<2048x512xi1> to vector<2048x512xi32>
    %eq3A_27 = vector.broadcast %slice3A_18 : vector<1x512xf32> to vector<2048x512xf32>
    %eq3A_28 = vector.broadcast %reshape3A : vector<2048x1xf32> to vector<2048x512xf32>
    %eq3A_29 = arith.cmpf oeq, %eq3A_27, %eq3A_28 : vector<2048x512xf32>
    %lt3A_30 = vector.broadcast %iota3A : vector<2048x1xi32> to vector<2048x512xi32>
    %lt3A_31 = arith.cmpi slt, %add3A_22, %lt3A_30 : vector<2048x512xi32>
    %and3A_32 = arith.andi %eq3A_29, %lt3A_31 : vector<2048x512xi1>
    %convert_element_type3A_33 = arith.extui %and3A_32 : vector<2048x512xi1> to vector<2048x512xi32>
    %add3A_34 = arith.addi %convert_element_type3A_26, %convert_element_type3A_33 : vector<2048x512xi32>
    %reduce_sum3A_35 = arith.constant dense<0> : vector<2048xi32>
    %reduce_sum3A_36 = vector.multi_reduction <add>, %add3A_34, %reduce_sum3A_35 [1] : vector<2048x512xi32> to vector<2048xi32>
    %reshape3A_37 = vector.shape_cast %reduce_sum3A_36 : vector<2048xi32> to vector<2048x1xi32>
    %add3A_38 = arith.addi %add3A_17, %reshape3A_37 : vector<2048x1xi32>
    %slice3A_39 = vector.extract_strided_slice %get3A_3 {offsets = [0, 1024], sizes = [1, 512], strides = [1, 1]} : vector<1x2048xf32> to vector<1x512xf32>
    %iota3A_40 = tpu.iota {dimensions = array<i32: 1>} : vector<2048x512xi32>
    %add3A_41 = arith.constant 1024 : i32
    %add3A_42 = vector.broadcast %add3A_41 : i32 to vector<2048x512xi32>
    %add3A_43 = arith.addi %iota3A_40, %add3A_42 : vector<2048x512xi32>
    %gt3A_44 = vector.broadcast %slice3A_39 : vector<1x512xf32> to vector<2048x512xf32>
    %gt3A_45 = vector.broadcast %reshape3A : vector<2048x1xf32> to vector<2048x512xf32>
    %gt3A_46 = arith.cmpf ogt, %gt3A_44, %gt3A_45 : vector<2048x512xf32>
    %convert_element_type3A_47 = arith.extui %gt3A_46 : vector<2048x512xi1> to vector<2048x512xi32>
    %eq3A_48 = vector.broadcast %slice3A_39 : vector<1x512xf32> to vector<2048x512xf32>
    %eq3A_49 = vector.broadcast %reshape3A : vector<2048x1xf32> to vector<2048x512xf32>
    %eq3A_50 = arith.cmpf oeq, %eq3A_48, %eq3A_49 : vector<2048x512xf32>
    %lt3A_51 = vector.broadcast %iota3A : vector<2048x1xi32> to vector<2048x512xi32>
    %lt3A_52 = arith.cmpi slt, %add3A_43, %lt3A_51 : vector<2048x512xi32>
    %and3A_53 = arith.andi %eq3A_50, %lt3A_52 : vector<2048x512xi1>
    %convert_element_type3A_54 = arith.extui %and3A_53 : vector<2048x512xi1> to vector<2048x512xi32>
    %add3A_55 = arith.addi %convert_element_type3A_47, %convert_element_type3A_54 : vector<2048x512xi32>
    %reduce_sum3A_56 = arith.constant dense<0> : vector<2048xi32>
    %reduce_sum3A_57 = vector.multi_reduction <add>, %add3A_55, %reduce_sum3A_56 [1] : vector<2048x512xi32> to vector<2048xi32>
    %reshape3A_58 = vector.shape_cast %reduce_sum3A_57 : vector<2048xi32> to vector<2048x1xi32>
    %add3A_59 = arith.addi %add3A_38, %reshape3A_58 : vector<2048x1xi32>
    %slice3A_60 = vector.extract_strided_slice %get3A_3 {offsets = [0, 1536], sizes = [1, 512], strides = [1, 1]} : vector<1x2048xf32> to vector<1x512xf32>
    %iota3A_61 = tpu.iota {dimensions = array<i32: 1>} : vector<2048x512xi32>
    %add3A_62 = arith.constant 1536 : i32
    %add3A_63 = vector.broadcast %add3A_62 : i32 to vector<2048x512xi32>
    %add3A_64 = arith.addi %iota3A_61, %add3A_63 : vector<2048x512xi32>
    %gt3A_65 = vector.broadcast %slice3A_60 : vector<1x512xf32> to vector<2048x512xf32>
    %gt3A_66 = vector.broadcast %reshape3A : vector<2048x1xf32> to vector<2048x512xf32>
    %gt3A_67 = arith.cmpf ogt, %gt3A_65, %gt3A_66 : vector<2048x512xf32>
    %convert_element_type3A_68 = arith.extui %gt3A_67 : vector<2048x512xi1> to vector<2048x512xi32>
    %eq3A_69 = vector.broadcast %slice3A_60 : vector<1x512xf32> to vector<2048x512xf32>
    %eq3A_70 = vector.broadcast %reshape3A : vector<2048x1xf32> to vector<2048x512xf32>
    %eq3A_71 = arith.cmpf oeq, %eq3A_69, %eq3A_70 : vector<2048x512xf32>
    %lt3A_72 = vector.broadcast %iota3A : vector<2048x1xi32> to vector<2048x512xi32>
    %lt3A_73 = arith.cmpi slt, %add3A_64, %lt3A_72 : vector<2048x512xi32>
    %and3A_74 = arith.andi %eq3A_71, %lt3A_73 : vector<2048x512xi1>
    %convert_element_type3A_75 = arith.extui %and3A_74 : vector<2048x512xi1> to vector<2048x512xi32>
    %add3A_76 = arith.addi %convert_element_type3A_68, %convert_element_type3A_75 : vector<2048x512xi32>
    %reduce_sum3A_77 = arith.constant dense<0> : vector<2048xi32>
    %reduce_sum3A_78 = vector.multi_reduction <add>, %add3A_76, %reduce_sum3A_77 [1] : vector<2048x512xi32> to vector<2048xi32>
    %reshape3A_79 = vector.shape_cast %reduce_sum3A_78 : vector<2048xi32> to vector<2048x1xi32>
    %add3A_80 = arith.addi %add3A_59, %reshape3A_79 : vector<2048x1xi32>
    %reshape3A_81 = vector.shape_cast %add3A_80 : vector<2048x1xi32> to vector<1x2048xi32>
    %swap3A = arith.constant 0 : index
    %swap3A_82 = arith.constant 0 : index
    %swap3A_83 = arith.constant 0 : index
    %swap3A_84 = vector.load %arg2[%swap3A, %swap3A_82, %swap3A_83] : memref<1x1x2048xi32, #tpu.memory_space<vmem>>, vector<1x1x2048xi32>
    %swap3A_85 = vector.shape_cast %swap3A_84 : vector<1x1x2048xi32> to vector<1x2048xi32>
    %swap3A_86 = vector.shape_cast %reshape3A_81 : vector<1x2048xi32> to vector<1x1x2048xi32>
    tpu.vector_store %arg2[%swap3A, %swap3A_82, %swap3A_83], %swap3A_86 {strides = array<i32>} : memref<1x1x2048xi32, #tpu.memory_space<vmem>>, vector<1x1x2048xi32>,
    %iota3A_87 = tpu.iota {dimensions = array<i32: 1>} : vector<2048x128xi32>
    %add3A_88 = arith.constant 0 : i32
    %add3A_89 = vector.broadcast %add3A_88 : i32 to vector<2048x128xi32>
    %add3A_90 = arith.addi %iota3A_87, %add3A_89 : vector<2048x128xi32>
    %eq3A_91 = vector.broadcast %add3A_80 : vector<2048x1xi32> to vector<2048x128xi32>
    %eq3A_92 = arith.cmpi eq, %eq3A_91, %add3A_90 : vector<2048x128xi32>
    %convert_element_type3A_93 = arith.extui %eq3A_92 : vector<2048x128xi1> to vector<2048x128xi32>
    %mul3A = vector.broadcast %iota3A : vector<2048x1xi32> to vector<2048x128xi32>
    %mul3A_94 = arith.muli %convert_element_type3A_93, %mul3A : vector<2048x128xi32>
    %reduce_sum3A_95 = arith.constant dense<0> : vector<128xi32>
    %reduce_sum3A_96 = vector.multi_reduction <add>, %mul3A_94, %reduce_sum3A_95 [0] : vector<2048x128xi32> to vector<128xi32>
    %swap3A_97 = arith.constant 0 : index
    %swap3A_98 = arith.constant 0 : index
    %swap3A_99 = arith.constant 0 : index
    %swap3A_100 = vector.load %arg3[%swap3A_97, %swap3A_98, %swap3A_99] : memref<1x1x640xi32, #tpu.memory_space<vmem>>, vector<1x1x128xi32>
    %swap3A_101 = vector.shape_cast %swap3A_100 : vector<1x1x128xi32> to vector<128xi32>
    %swap3A_102 = vector.shape_cast %reduce_sum3A_96 : vector<128xi32> to vector<1x1x128xi32>
    tpu.vector_store %arg3[%swap3A_97, %swap3A_98, %swap3A_99], %swap3A_102 {strides = array<i32>} : memref<1x1x640xi32, #tpu.memory_space<vmem>>, vector<1x1x128xi32>,
    %iota3A_103 = tpu.iota {dimensions = array<i32: 1>} : vector<2048x128xi32>
    %add3A_104 = arith.constant 128 : i32
    %add3A_105 = vector.broadcast %add3A_104 : i32 to vector<2048x128xi32>
    %add3A_106 = arith.addi %iota3A_103, %add3A_105 : vector<2048x128xi32>
    %eq3A_107 = vector.broadcast %add3A_80 : vector<2048x1xi32> to vector<2048x128xi32>
    %eq3A_108 = arith.cmpi eq, %eq3A_107, %add3A_106 : vector<2048x128xi32>
    %convert_element_type3A_109 = arith.extui %eq3A_108 : vector<2048x128xi1> to vector<2048x128xi32>
    %mul3A_110 = vector.broadcast %iota3A : vector<2048x1xi32> to vector<2048x128xi32>
    %mul3A_111 = arith.muli %convert_element_type3A_109, %mul3A_110 : vector<2048x128xi32>
    %reduce_sum3A_112 = arith.constant dense<0> : vector<128xi32>
    %reduce_sum3A_113 = vector.multi_reduction <add>, %mul3A_111, %reduce_sum3A_112 [0] : vector<2048x128xi32> to vector<128xi32>
    %swap3A_114 = arith.constant 0 : index
    %swap3A_115 = arith.constant 0 : index
    %swap3A_116 = arith.constant 128 : index
    %swap3A_117 = vector.load %arg3[%swap3A_114, %swap3A_115, %swap3A_116] : memref<1x1x640xi32, #tpu.memory_space<vmem>>, vector<1x1x128xi32>
    %swap3A_118 = vector.shape_cast %swap3A_117 : vector<1x1x128xi32> to vector<128xi32>
    %swap3A_119 = vector.shape_cast %reduce_sum3A_113 : vector<128xi32> to vector<1x1x128xi32>
    tpu.vector_store %arg3[%swap3A_114, %swap3A_115, %swap3A_116], %swap3A_119 {strides = array<i32>} : memref<1x1x640xi32, #tpu.memory_space<vmem>>, vector<1x1x128xi32>,
    %iota3A_120 = tpu.iota {dimensions = array<i32: 1>} : vector<2048x128xi32>
    %add3A_121 = arith.constant 256 : i32
    %add3A_122 = vector.broadcast %add3A_121 : i32 to vector<2048x128xi32>
    %add3A_123 = arith.addi %iota3A_120, %add3A_122 : vector<2048x128xi32>
    %eq3A_124 = vector.broadcast %add3A_80 : vector<2048x1xi32> to vector<2048x128xi32>
    %eq3A_125 = arith.cmpi eq, %eq3A_124, %add3A_123 : vector<2048x128xi32>
    %convert_element_type3A_126 = arith.extui %eq3A_125 : vector<2048x128xi1> to vector<2048x128xi32>
    %mul3A_127 = vector.broadcast %iota3A : vector<2048x1xi32> to vector<2048x128xi32>
    %mul3A_128 = arith.muli %convert_element_type3A_126, %mul3A_127 : vector<2048x128xi32>
    %reduce_sum3A_129 = arith.constant dense<0> : vector<128xi32>
    %reduce_sum3A_130 = vector.multi_reduction <add>, %mul3A_128, %reduce_sum3A_129 [0] : vector<2048x128xi32> to vector<128xi32>
    %swap3A_131 = arith.constant 0 : index
    %swap3A_132 = arith.constant 0 : index
    %swap3A_133 = arith.constant 256 : index
    %swap3A_134 = vector.load %arg3[%swap3A_131, %swap3A_132, %swap3A_133] : memref<1x1x640xi32, #tpu.memory_space<vmem>>, vector<1x1x128xi32>
    %swap3A_135 = vector.shape_cast %swap3A_134 : vector<1x1x128xi32> to vector<128xi32>
    %swap3A_136 = vector.shape_cast %reduce_sum3A_130 : vector<128xi32> to vector<1x1x128xi32>
    tpu.vector_store %arg3[%swap3A_131, %swap3A_132, %swap3A_133], %swap3A_136 {strides = array<i32>} : memref<1x1x640xi32, #tpu.memory_space<vmem>>, vector<1x1x128xi32>,
    %iota3A_137 = tpu.iota {dimensions = array<i32: 1>} : vector<2048x128xi32>
    %add3A_138 = arith.constant 384 : i32
    %add3A_139 = vector.broadcast %add3A_138 : i32 to vector<2048x128xi32>
    %add3A_140 = arith.addi %iota3A_137, %add3A_139 : vector<2048x128xi32>
    %eq3A_141 = vector.broadcast %add3A_80 : vector<2048x1xi32> to vector<2048x128xi32>
    %eq3A_142 = arith.cmpi eq, %eq3A_141, %add3A_140 : vector<2048x128xi32>
    %convert_element_type3A_143 = arith.extui %eq3A_142 : vector<2048x128xi1> to vector<2048x128xi32>
    %mul3A_144 = vector.broadcast %iota3A : vector<2048x1xi32> to vector<2048x128xi32>
    %mul3A_145 = arith.muli %convert_element_type3A_143, %mul3A_144 : vector<2048x128xi32>
    %reduce_sum3A_146 = arith.constant dense<0> : vector<128xi32>
    %reduce_sum3A_147 = vector.multi_reduction <add>, %mul3A_145, %reduce_sum3A_146 [0] : vector<2048x128xi32> to vector<128xi32>
    %swap3A_148 = arith.constant 0 : index
    %swap3A_149 = arith.constant 0 : index
    %swap3A_150 = arith.constant 384 : index
    %swap3A_151 = vector.load %arg3[%swap3A_148, %swap3A_149, %swap3A_150] : memref<1x1x640xi32, #tpu.memory_space<vmem>>, vector<1x1x128xi32>
    %swap3A_152 = vector.shape_cast %swap3A_151 : vector<1x1x128xi32> to vector<128xi32>
    %swap3A_153 = vector.shape_cast %reduce_sum3A_147 : vector<128xi32> to vector<1x1x128xi32>
    tpu.vector_store %arg3[%swap3A_148, %swap3A_149, %swap3A_150], %swap3A_153 {strides = array<i32>} : memref<1x1x640xi32, #tpu.memory_space<vmem>>, vector<1x1x128xi32>,
    %iota3A_154 = tpu.iota {dimensions = array<i32: 1>} : vector<2048x128xi32>
    %add3A_155 = arith.constant 512 : i32
    %add3A_156 = vector.broadcast %add3A_155 : i32 to vector<2048x128xi32>
    %add3A_157 = arith.addi %iota3A_154, %add3A_156 : vector<2048x128xi32>
    %eq3A_158 = vector.broadcast %add3A_80 : vector<2048x1xi32> to vector<2048x128xi32>
    %eq3A_159 = arith.cmpi eq, %eq3A_158, %add3A_157 : vector<2048x128xi32>
    %convert_element_type3A_160 = arith.extui %eq3A_159 : vector<2048x128xi1> to vector<2048x128xi32>
    %mul3A_161 = vector.broadcast %iota3A : vector<2048x1xi32> to vector<2048x128xi32>
    %mul3A_162 = arith.muli %convert_element_type3A_160, %mul3A_161 : vector<2048x128xi32>
    %reduce_sum3A_163 = arith.constant dense<0> : vector<128xi32>
    %reduce_sum3A_164 = vector.multi_reduction <add>, %mul3A_162, %reduce_sum3A_163 [0] : vector<2048x128xi32> to vector<128xi32>
    %swap3A_165 = arith.constant 0 : index
    %swap3A_166 = arith.constant 0 : index
    %swap3A_167 = arith.constant 512 : index
    %swap3A_168 = vector.load %arg3[%swap3A_165, %swap3A_166, %swap3A_167] : memref<1x1x640xi32, #tpu.memory_space<vmem>>, vector<1x1x128xi32>
    %swap3A_169 = vector.shape_cast %swap3A_168 : vector<1x1x128xi32> to vector<128xi32>
    %swap3A_170 = vector.shape_cast %reduce_sum3A_164 : vector<128xi32> to vector<1x1x128xi32>
    tpu.vector_store %arg3[%swap3A_165, %swap3A_166, %swap3A_167], %swap3A_170 {strides = array<i32>} : memref<1x1x640xi32, #tpu.memory_space<vmem>>, vector<1x1x128xi32>,
    return
  }
  func.func @transform_0(%arg0: i32) -> (i32, i32, i32) {
    %c0_i32 = arith.constant 0 : i32
    %c0_i32_0 = arith.constant 0 : i32
    %c0_i32_1 = arith.constant 0 : i32
    return %arg0, %c0_i32, %c0_i32_0 : i32, i32, i32
  }
  func.func @transform_1(%arg0: i32) -> (i32, i32, i32) {
    %c0_i32 = arith.constant 0 : i32
    %c0_i32_0 = arith.constant 0 : i32
    %c0_i32_1 = arith.constant 0 : i32
    return %arg0, %c0_i32, %c0_i32_0 : i32, i32, i32
  }
  func.func @transform_2(%arg0: i32) -> (i32, i32, i32) {
    %c0_i32 = arith.constant 0 : i32
    %c0_i32_0 = arith.constant 0 : i32
    %c0_i32_1 = arith.constant 0 : i32
    return %arg0, %c0_i32, %c0_i32_0 : i32, i32, i32
  }
}

module attributes {stable_mosaic.version = 14 : i64} {
  func.func @_pre_kernel(%arg0: memref<16x16xf32, #tpu.memory_space<vmem>>, %arg1: memref<1x16xf32, #tpu.memory_space<vmem>>, %arg2: memref<32x1x16xf32, #tpu.memory_space<vmem>>, %arg3: memref<32x16x16xf32, #tpu.memory_space<vmem>>) attributes {dimension_semantics = [], scalar_prefetch = 0 : i64, scratch_operands = 0 : i64, tpu.core_type = #tpu.core_type<tc>} {
    %get3A = arith.constant 0 : index
    %get3A_0 = arith.constant 0 : index
    %get3A_1 = vector.load %arg0[%get3A, %get3A_0] : memref<16x16xf32, #tpu.memory_space<vmem>>, vector<16x16xf32>
    %get3A_2 = arith.constant 0 : index
    %get3A_3 = arith.constant 0 : index
    %get3A_4 = vector.load %arg1[%get3A_2, %get3A_3] : memref<1x16xf32, #tpu.memory_space<vmem>>, vector<1x16xf32>
    %logistic3A = arith.negf %get3A_4 : vector<1x16xf32>
    %logistic3A_5 = math.exp %logistic3A : vector<1x16xf32>
    %logistic3A_6 = arith.constant 1.000000e+00 : f32
    %logistic3A_7 = vector.broadcast %logistic3A_6 : f32 to vector<1x16xf32>
    %logistic3A_8 = arith.addf %logistic3A_7, %logistic3A_5 : vector<1x16xf32>
    %logistic3A_9 = arith.divf %logistic3A_7, %logistic3A_8 : vector<1x16xf32>
    %iota3A = tpu.iota {dimensions = array<i32: 0>} : vector<16x16xi32>
    %iota3A_10 = tpu.iota {dimensions = array<i32: 1>} : vector<16x16xi32>
    %add3A = arith.constant 0 : i32
    %add3A_11 = vector.broadcast %add3A : i32 to vector<16x16xi32>
    %add3A_12 = arith.addi %iota3A, %add3A_11 : vector<16x16xi32>
    %eq3A = arith.cmpi eq, %add3A_12, %iota3A_10 : vector<16x16xi32>
    %convert_element_type3A = arith.extui %eq3A : vector<16x16xi1> to vector<16x16xi32>
    %convert_element_type3A_13 = arith.sitofp %convert_element_type3A : vector<16x16xi32> to vector<16x16xf32>
    %dot_general3A = arith.constant dense<0.000000e+00> : vector<16x16xf32>
    %dot_general3A_14 = tpu.matmul %convert_element_type3A_13, %get3A_1, %dot_general3A {dimension_numbers = #tpu.dot_dimension_numbers<[1], [1], [0], [0], [0, 0, 1, 0], [], []>, transpose_lhs_hint = false} : vector<16x16xf32>, vector<16x16xf32>, vector<16x16xf32> -> vector<16x16xf32>
    %scan3A = arith.constant 0 : i32
    %scan3A_15 = arith.constant 32 : i32
    %scan3A_16 = arith.addi %scan3A, %scan3A_15 : i32
    %scan3A_17 = arith.constant 1 : i32
    %scan3A_18:2 = scf.for %scan3A_20 = %scan3A to %scan3A_16 step %scan3A_17 iter_args(%scan3A_21 = %logistic3A_9, %scan3A_22 = %dot_general3A_14) -> (vector<1x16xf32>, vector<16x16xf32>)  : i32 {
      %broadcast_in_dim3A = vector.shape_cast %scan3A_21 : vector<1x16xf32> to vector<1x1x16xf32>
      %swap3A = arith.index_cast %scan3A_20 : i32 to index
      %swap3A_23 = arith.constant 0 : index
      %swap3A_24 = arith.constant 0 : index
      %swap3A_25 = vector.load %arg2[%swap3A, %swap3A_23, %swap3A_24] : memref<32x1x16xf32, #tpu.memory_space<vmem>>, vector<1x1x16xf32>
      tpu.vector_store %arg2[%swap3A, %swap3A_23, %swap3A_24], %broadcast_in_dim3A {strides = array<i32>} : memref<32x1x16xf32, #tpu.memory_space<vmem>>, vector<1x1x16xf32>,
      %broadcast_in_dim3A_26 = vector.shape_cast %scan3A_22 : vector<16x16xf32> to vector<1x16x16xf32>
      %swap3A_27 = arith.index_cast %scan3A_20 : i32 to index
      %swap3A_28 = arith.constant 0 : index
      %swap3A_29 = arith.constant 0 : index
      %swap3A_30 = vector.load %arg3[%swap3A_27, %swap3A_28, %swap3A_29] : memref<32x16x16xf32, #tpu.memory_space<vmem>>, vector<1x16x16xf32>
      tpu.vector_store %arg3[%swap3A_27, %swap3A_28, %swap3A_29], %broadcast_in_dim3A_26 {strides = array<i32>} : memref<32x16x16xf32, #tpu.memory_space<vmem>>, vector<1x16x16xf32>,
      %dot_general3A_31 = arith.constant dense<0.000000e+00> : vector<1x16xf32>
      %dot_general3A_32 = tpu.matmul %scan3A_21, %get3A_1, %dot_general3A_31 {dimension_numbers = #tpu.dot_dimension_numbers<[1], [1], [0], [0], [0, 0, 1, 0], [], []>, transpose_lhs_hint = false} : vector<1x16xf32>, vector<16x16xf32>, vector<1x16xf32> -> vector<1x16xf32>
      %dot_general3A_33 = arith.constant dense<0.000000e+00> : vector<16x16xf32>
      %dot_general3A_34 = tpu.matmul %scan3A_22, %get3A_1, %dot_general3A_33 {dimension_numbers = #tpu.dot_dimension_numbers<[1], [1], [0], [0], [0, 0, 1, 0], [], []>, transpose_lhs_hint = false} : vector<16x16xf32>, vector<16x16xf32>, vector<16x16xf32> -> vector<16x16xf32>
      scf.yield %dot_general3A_32, %dot_general3A_34 : vector<1x16xf32>, vector<16x16xf32>
    }
    %scan3A_19 = arith.constant 32 : i32
    return
  }
}

module attributes {stable_mosaic.version = 14 : i64} {
  func.func @_scan_kernel(%arg0: i32, %arg1: i32, %arg2: memref<1x640x1536xf32, #tpu.memory_space<vmem>>, %arg3: memref<4x1536xf32, #tpu.memory_space<vmem>>, %arg4: memref<128x32xf32, #tpu.memory_space<vmem>>, %arg5: memref<128x8xf32, #tpu.memory_space<vmem>>, %arg6: memref<512x32xf32, #tpu.memory_space<vmem>>, %arg7: memref<512x16xf32, #tpu.memory_space<vmem>>, %arg8: memref<16x16xf32, #tpu.memory_space<vmem>>, %arg9: memref<16x32xf32, #tpu.memory_space<vmem>>, %arg10: memref<16x1536xf32, #tpu.memory_space<vmem>>, %arg11: memref<768x1536xf32, #tpu.memory_space<vmem>>, %arg12: memref<768xf32, #tpu.memory_space<vmem>>, %arg13: memref<1x32x768xf32, #tpu.memory_space<vmem>>, %arg14: memref<16x1536xf32, #tpu.memory_space<vmem>>, %arg15: memref<8x1536xf32, #tpu.memory_space<vmem>>) attributes {dimension_semantics = [#tpu.dimension_semantics<arbitrary>, #tpu.dimension_semantics<arbitrary>], iteration_bounds = array<i64: 2, 20>, scalar_prefetch = 0 : i64, scratch_operands = 2 : i64, tpu.core_type = #tpu.core_type<tc>, window_params = [{transform_indices = @transform_0, window_bounds = array<i64: 1, 640, 1536>}, {pipeline_mode = #tpu.pipeline_mode<synchronous>, transform_indices = @transform_1, window_bounds = array<i64: 4, 1536>}, {pipeline_mode = #tpu.pipeline_mode<synchronous>, transform_indices = @transform_2, window_bounds = array<i64: 128, 32>}, {pipeline_mode = #tpu.pipeline_mode<synchronous>, transform_indices = @transform_3, window_bounds = array<i64: 128, 8>}, {pipeline_mode = #tpu.pipeline_mode<synchronous>, transform_indices = @transform_4, window_bounds = array<i64: 512, 32>}, {pipeline_mode = #tpu.pipeline_mode<synchronous>, transform_indices = @transform_5, window_bounds = array<i64: 512, 16>}, {pipeline_mode = #tpu.pipeline_mode<synchronous>, transform_indices = @transform_6, window_bounds = array<i64: 16, 16>}, {pipeline_mode = #tpu.pipeline_mode<synchronous>, transform_indices = @transform_7, window_bounds = array<i64: 16, 32>}, {pipeline_mode = #tpu.pipeline_mode<synchronous>, transform_indices = @transform_8, window_bounds = array<i64: 16, 1536>}, {pipeline_mode = #tpu.pipeline_mode<synchronous>, transform_indices = @transform_9, window_bounds = array<i64: 768, 1536>}, {pipeline_mode = #tpu.pipeline_mode<synchronous>, transform_indices = @transform_10, window_bounds = array<i64: 768>}, {transform_indices = @transform_11, window_bounds = array<i64: 1, 32, 768>}]} {
    %eq3A = arith.constant 0 : i32
    %eq3A_0 = arith.cmpi eq, %arg1, %eq3A : i32
    %convert_element_type3A = arith.extui %eq3A_0 : i1 to i32
    %cond3A = arith.constant 0 : i32
    %cond3A_1 = arith.cmpi ne, %convert_element_type3A, %cond3A : i32
    scf.if %cond3A_1 {
      %broadcast_in_dim3A_173 = arith.constant 0.000000e+00 : f32
      %broadcast_in_dim3A_174 = vector.broadcast %broadcast_in_dim3A_173 : f32 to vector<16x1536xf32>
      %swap3A_175 = arith.constant 0 : index
      %swap3A_176 = arith.constant 0 : index
      %swap3A_177 = vector.load %arg14[%swap3A_175, %swap3A_176] : memref<16x1536xf32, #tpu.memory_space<vmem>>, vector<16x1536xf32>
      tpu.vector_store %arg14[%swap3A_175, %swap3A_176], %broadcast_in_dim3A_174 {strides = array<i32>} : memref<16x1536xf32, #tpu.memory_space<vmem>>, vector<16x1536xf32>,
      %broadcast_in_dim3A_178 = arith.constant 0.000000e+00 : f32
      %broadcast_in_dim3A_179 = vector.broadcast %broadcast_in_dim3A_178 : f32 to vector<8x1536xf32>
      %swap3A_180 = arith.constant 0 : index
      %swap3A_181 = arith.constant 0 : index
      %swap3A_182 = vector.load %arg15[%swap3A_180, %swap3A_181] : memref<8x1536xf32, #tpu.memory_space<vmem>>, vector<8x1536xf32>
      tpu.vector_store %arg15[%swap3A_180, %swap3A_181], %broadcast_in_dim3A_179 {strides = array<i32>} : memref<8x1536xf32, #tpu.memory_space<vmem>>, vector<8x1536xf32>,
    } else {
    }
    %mul3A = arith.constant 32 : i32
    %mul3A_2 = arith.muli %arg1, %mul3A : i32
    %get3A = arith.constant 0 : index
    %get3A_3 = arith.index_cast %mul3A_2 : i32 to index
    %get3A_4 = arith.constant 0 : index
    %get3A_5 = vector.load %arg2[%get3A, %get3A_3, %get3A_4] : memref<1x640x1536xf32, #tpu.memory_space<vmem>>, vector<1x32x1536xf32>
    %get3A_6 = vector.shape_cast %get3A_5 : vector<1x32x1536xf32> to vector<32x1536xf32>
    %get3A_7 = arith.constant 0 : index
    %get3A_8 = arith.constant 0 : index
    %get3A_9 = vector.load %arg4[%get3A_7, %get3A_8] : memref<128x32xf32, #tpu.memory_space<vmem>>, vector<128x32xf32>
    %dot_general3A = arith.constant dense<0.000000e+00> : vector<128x1536xf32>
    %dot_general3A_10 = tpu.matmul %get3A_9, %get3A_6, %dot_general3A {dimension_numbers = #tpu.dot_dimension_numbers<[1], [0], [0], [1], [0, 0, 1, 1], [], []>, transpose_lhs_hint = false} : vector<128x32xf32>, vector<32x1536xf32>, vector<128x1536xf32> -> vector<128x1536xf32>
    %get3A_11 = arith.constant 0 : index
    %get3A_12 = arith.constant 0 : index
    %get3A_13 = vector.load %arg5[%get3A_11, %get3A_12] : memref<128x8xf32, #tpu.memory_space<vmem>>, vector<128x8xf32>
    %get3A_14 = arith.constant 0 : index
    %get3A_15 = arith.constant 0 : index
    %get3A_16 = vector.load %arg15[%get3A_14, %get3A_15] : memref<8x1536xf32, #tpu.memory_space<vmem>>, vector<8x1536xf32>
    %dot_general3A_17 = arith.constant dense<0.000000e+00> : vector<128x1536xf32>
    %dot_general3A_18 = tpu.matmul %get3A_13, %get3A_16, %dot_general3A_17 {dimension_numbers = #tpu.dot_dimension_numbers<[1], [0], [0], [1], [0, 0, 1, 1], [], []>, transpose_lhs_hint = false} : vector<128x8xf32>, vector<8x1536xf32>, vector<128x1536xf32> -> vector<128x1536xf32>
    %add3A = arith.addf %dot_general3A_10, %dot_general3A_18 : vector<128x1536xf32>
    %get3A_19 = arith.constant 0 : index
    %get3A_20 = arith.constant 0 : index
    %get3A_21 = vector.load %arg3[%get3A_19, %get3A_20] : memref<4x1536xf32, #tpu.memory_space<vmem>>, vector<4x1536xf32>
    %slice3A = vector.extract_strided_slice %get3A_21 {offsets = [0, 0], sizes = [1, 1536], strides = [1, 1]} : vector<4x1536xf32> to vector<1x1536xf32>
    %slice3A_22 = vector.extract_strided_slice %add3A {offsets = [0, 0], sizes = [32, 1536], strides = [1, 1]} : vector<128x1536xf32> to vector<32x1536xf32>
    %mul3A_23 = vector.broadcast %slice3A : vector<1x1536xf32> to vector<32x1536xf32>
    %mul3A_24 = arith.mulf %mul3A_23, %slice3A_22 : vector<32x1536xf32>
    %slice3A_25 = vector.extract_strided_slice %get3A_21 {offsets = [1, 0], sizes = [1, 1536], strides = [1, 1]} : vector<4x1536xf32> to vector<1x1536xf32>
    %slice3A_26 = vector.extract_strided_slice %add3A {offsets = [32, 0], sizes = [32, 1536], strides = [1, 1]} : vector<128x1536xf32> to vector<32x1536xf32>
    %mul3A_27 = vector.broadcast %slice3A_25 : vector<1x1536xf32> to vector<32x1536xf32>
    %mul3A_28 = arith.mulf %mul3A_27, %slice3A_26 : vector<32x1536xf32>
    %add3A_29 = arith.addf %mul3A_24, %mul3A_28 : vector<32x1536xf32>
    %slice3A_30 = vector.extract_strided_slice %get3A_21 {offsets = [2, 0], sizes = [1, 1536], strides = [1, 1]} : vector<4x1536xf32> to vector<1x1536xf32>
    %slice3A_31 = vector.extract_strided_slice %add3A {offsets = [64, 0], sizes = [32, 1536], strides = [1, 1]} : vector<128x1536xf32> to vector<32x1536xf32>
    %mul3A_32 = vector.broadcast %slice3A_30 : vector<1x1536xf32> to vector<32x1536xf32>
    %mul3A_33 = arith.mulf %mul3A_32, %slice3A_31 : vector<32x1536xf32>
    %add3A_34 = arith.addf %add3A_29, %mul3A_33 : vector<32x1536xf32>
    %slice3A_35 = vector.extract_strided_slice %get3A_21 {offsets = [3, 0], sizes = [1, 1536], strides = [1, 1]} : vector<4x1536xf32> to vector<1x1536xf32>
    %slice3A_36 = vector.extract_strided_slice %add3A {offsets = [96, 0], sizes = [32, 1536], strides = [1, 1]} : vector<128x1536xf32> to vector<32x1536xf32>
    %mul3A_37 = vector.broadcast %slice3A_35 : vector<1x1536xf32> to vector<32x1536xf32>
    %mul3A_38 = arith.mulf %mul3A_37, %slice3A_36 : vector<32x1536xf32>
    %add3A_39 = arith.addf %add3A_34, %mul3A_38 : vector<32x1536xf32>
    %slice3A_40 = vector.extract_strided_slice %get3A_6 {offsets = [24, 0], sizes = [8, 1536], strides = [1, 1]} : vector<32x1536xf32> to vector<8x1536xf32>
    %swap3A = arith.constant 0 : index
    %swap3A_41 = arith.constant 0 : index
    %swap3A_42 = vector.load %arg15[%swap3A, %swap3A_41] : memref<8x1536xf32, #tpu.memory_space<vmem>>, vector<8x1536xf32>
    tpu.vector_store %arg15[%swap3A, %swap3A_41], %slice3A_40 {strides = array<i32>} : memref<8x1536xf32, #tpu.memory_space<vmem>>, vector<8x1536xf32>,
    %get3A_43 = arith.constant 0 : index
    %get3A_44 = arith.constant 0 : index
    %get3A_45 = vector.load %arg14[%get3A_43, %get3A_44] : memref<16x1536xf32, #tpu.memory_space<vmem>>, vector<16x1536xf32>
    %get3A_46 = arith.constant 0 : index
    %get3A_47 = arith.constant 0 : index
    %get3A_48 = vector.load %arg6[%get3A_46, %get3A_47] : memref<512x32xf32, #tpu.memory_space<vmem>>, vector<512x32xf32>
    %dot_general3A_49 = arith.constant dense<0.000000e+00> : vector<512x1536xf32>
    %dot_general3A_50 = tpu.matmul %get3A_48, %add3A_39, %dot_general3A_49 {dimension_numbers = #tpu.dot_dimension_numbers<[1], [0], [0], [1], [0, 0, 1, 1], [], []>, transpose_lhs_hint = false} : vector<512x32xf32>, vector<32x1536xf32>, vector<512x1536xf32> -> vector<512x1536xf32>
    %get3A_51 = arith.constant 0 : index
    %get3A_52 = arith.constant 0 : index
    %get3A_53 = vector.load %arg7[%get3A_51, %get3A_52] : memref<512x16xf32, #tpu.memory_space<vmem>>, vector<512x16xf32>
    %dot_general3A_54 = arith.constant dense<0.000000e+00> : vector<512x1536xf32>
    %dot_general3A_55 = tpu.matmul %get3A_53, %get3A_45, %dot_general3A_54 {dimension_numbers = #tpu.dot_dimension_numbers<[1], [0], [0], [1], [0, 0, 1, 1], [], []>, transpose_lhs_hint = false} : vector<512x16xf32>, vector<16x1536xf32>, vector<512x1536xf32> -> vector<512x1536xf32>
    %add3A_56 = arith.addf %dot_general3A_50, %dot_general3A_55 : vector<512x1536xf32>
    %get3A_57 = arith.constant 0 : index
    %get3A_58 = arith.constant 0 : index
    %get3A_59 = vector.load %arg10[%get3A_57, %get3A_58] : memref<16x1536xf32, #tpu.memory_space<vmem>>, vector<16x1536xf32>
    %logistic3A = arith.negf %get3A_59 : vector<16x1536xf32>
    %logistic3A_60 = math.exp %logistic3A : vector<16x1536xf32>
    %logistic3A_61 = arith.constant 1.000000e+00 : f32
    %logistic3A_62 = vector.broadcast %logistic3A_61 : f32 to vector<16x1536xf32>
    %logistic3A_63 = arith.addf %logistic3A_62, %logistic3A_60 : vector<16x1536xf32>
    %logistic3A_64 = arith.divf %logistic3A_62, %logistic3A_63 : vector<16x1536xf32>
    %slice3A_65 = vector.extract_strided_slice %logistic3A_64 {offsets = [0, 0], sizes = [1, 1536], strides = [1, 1]} : vector<16x1536xf32> to vector<1x1536xf32>
    %slice3A_66 = vector.extract_strided_slice %add3A_56 {offsets = [0, 0], sizes = [32, 1536], strides = [1, 1]} : vector<512x1536xf32> to vector<32x1536xf32>
    %mul3A_67 = vector.broadcast %slice3A_65 : vector<1x1536xf32> to vector<32x1536xf32>
    %mul3A_68 = arith.mulf %mul3A_67, %slice3A_66 : vector<32x1536xf32>
    %slice3A_69 = vector.extract_strided_slice %logistic3A_64 {offsets = [1, 0], sizes = [1, 1536], strides = [1, 1]} : vector<16x1536xf32> to vector<1x1536xf32>
    %slice3A_70 = vector.extract_strided_slice %add3A_56 {offsets = [32, 0], sizes = [32, 1536], strides = [1, 1]} : vector<512x1536xf32> to vector<32x1536xf32>
    %mul3A_71 = vector.broadcast %slice3A_69 : vector<1x1536xf32> to vector<32x1536xf32>
    %mul3A_72 = arith.mulf %mul3A_71, %slice3A_70 : vector<32x1536xf32>
    %add3A_73 = arith.addf %mul3A_68, %mul3A_72 : vector<32x1536xf32>
    %slice3A_74 = vector.extract_strided_slice %logistic3A_64 {offsets = [2, 0], sizes = [1, 1536], strides = [1, 1]} : vector<16x1536xf32> to vector<1x1536xf32>
    %slice3A_75 = vector.extract_strided_slice %add3A_56 {offsets = [64, 0], sizes = [32, 1536], strides = [1, 1]} : vector<512x1536xf32> to vector<32x1536xf32>
    %mul3A_76 = vector.broadcast %slice3A_74 : vector<1x1536xf32> to vector<32x1536xf32>
    %mul3A_77 = arith.mulf %mul3A_76, %slice3A_75 : vector<32x1536xf32>
    %add3A_78 = arith.addf %add3A_73, %mul3A_77 : vector<32x1536xf32>
    %slice3A_79 = vector.extract_strided_slice %logistic3A_64 {offsets = [3, 0], sizes = [1, 1536], strides = [1, 1]} : vector<16x1536xf32> to vector<1x1536xf32>
    %slice3A_80 = vector.extract_strided_slice %add3A_56 {offsets = [96, 0], sizes = [32, 1536], strides = [1, 1]} : vector<512x1536xf32> to vector<32x1536xf32>
    %mul3A_81 = vector.broadcast %slice3A_79 : vector<1x1536xf32> to vector<32x1536xf32>
    %mul3A_82 = arith.mulf %mul3A_81, %slice3A_80 : vector<32x1536xf32>
    %add3A_83 = arith.addf %add3A_78, %mul3A_82 : vector<32x1536xf32>
    %slice3A_84 = vector.extract_strided_slice %logistic3A_64 {offsets = [4, 0], sizes = [1, 1536], strides = [1, 1]} : vector<16x1536xf32> to vector<1x1536xf32>
    %slice3A_85 = vector.extract_strided_slice %add3A_56 {offsets = [128, 0], sizes = [32, 1536], strides = [1, 1]} : vector<512x1536xf32> to vector<32x1536xf32>
    %mul3A_86 = vector.broadcast %slice3A_84 : vector<1x1536xf32> to vector<32x1536xf32>
    %mul3A_87 = arith.mulf %mul3A_86, %slice3A_85 : vector<32x1536xf32>
    %add3A_88 = arith.addf %add3A_83, %mul3A_87 : vector<32x1536xf32>
    %slice3A_89 = vector.extract_strided_slice %logistic3A_64 {offsets = [5, 0], sizes = [1, 1536], strides = [1, 1]} : vector<16x1536xf32> to vector<1x1536xf32>
    %slice3A_90 = vector.extract_strided_slice %add3A_56 {offsets = [160, 0], sizes = [32, 1536], strides = [1, 1]} : vector<512x1536xf32> to vector<32x1536xf32>
    %mul3A_91 = vector.broadcast %slice3A_89 : vector<1x1536xf32> to vector<32x1536xf32>
    %mul3A_92 = arith.mulf %mul3A_91, %slice3A_90 : vector<32x1536xf32>
    %add3A_93 = arith.addf %add3A_88, %mul3A_92 : vector<32x1536xf32>
    %slice3A_94 = vector.extract_strided_slice %logistic3A_64 {offsets = [6, 0], sizes = [1, 1536], strides = [1, 1]} : vector<16x1536xf32> to vector<1x1536xf32>
    %slice3A_95 = vector.extract_strided_slice %add3A_56 {offsets = [192, 0], sizes = [32, 1536], strides = [1, 1]} : vector<512x1536xf32> to vector<32x1536xf32>
    %mul3A_96 = vector.broadcast %slice3A_94 : vector<1x1536xf32> to vector<32x1536xf32>
    %mul3A_97 = arith.mulf %mul3A_96, %slice3A_95 : vector<32x1536xf32>
    %add3A_98 = arith.addf %add3A_93, %mul3A_97 : vector<32x1536xf32>
    %slice3A_99 = vector.extract_strided_slice %logistic3A_64 {offsets = [7, 0], sizes = [1, 1536], strides = [1, 1]} : vector<16x1536xf32> to vector<1x1536xf32>
    %slice3A_100 = vector.extract_strided_slice %add3A_56 {offsets = [224, 0], sizes = [32, 1536], strides = [1, 1]} : vector<512x1536xf32> to vector<32x1536xf32>
    %mul3A_101 = vector.broadcast %slice3A_99 : vector<1x1536xf32> to vector<32x1536xf32>
    %mul3A_102 = arith.mulf %mul3A_101, %slice3A_100 : vector<32x1536xf32>
    %add3A_103 = arith.addf %add3A_98, %mul3A_102 : vector<32x1536xf32>
    %slice3A_104 = vector.extract_strided_slice %logistic3A_64 {offsets = [8, 0], sizes = [1, 1536], strides = [1, 1]} : vector<16x1536xf32> to vector<1x1536xf32>
    %slice3A_105 = vector.extract_strided_slice %add3A_56 {offsets = [256, 0], sizes = [32, 1536], strides = [1, 1]} : vector<512x1536xf32> to vector<32x1536xf32>
    %mul3A_106 = vector.broadcast %slice3A_104 : vector<1x1536xf32> to vector<32x1536xf32>
    %mul3A_107 = arith.mulf %mul3A_106, %slice3A_105 : vector<32x1536xf32>
    %add3A_108 = arith.addf %add3A_103, %mul3A_107 : vector<32x1536xf32>
    %slice3A_109 = vector.extract_strided_slice %logistic3A_64 {offsets = [9, 0], sizes = [1, 1536], strides = [1, 1]} : vector<16x1536xf32> to vector<1x1536xf32>
    %slice3A_110 = vector.extract_strided_slice %add3A_56 {offsets = [288, 0], sizes = [32, 1536], strides = [1, 1]} : vector<512x1536xf32> to vector<32x1536xf32>
    %mul3A_111 = vector.broadcast %slice3A_109 : vector<1x1536xf32> to vector<32x1536xf32>
    %mul3A_112 = arith.mulf %mul3A_111, %slice3A_110 : vector<32x1536xf32>
    %add3A_113 = arith.addf %add3A_108, %mul3A_112 : vector<32x1536xf32>
    %slice3A_114 = vector.extract_strided_slice %logistic3A_64 {offsets = [10, 0], sizes = [1, 1536], strides = [1, 1]} : vector<16x1536xf32> to vector<1x1536xf32>
    %slice3A_115 = vector.extract_strided_slice %add3A_56 {offsets = [320, 0], sizes = [32, 1536], strides = [1, 1]} : vector<512x1536xf32> to vector<32x1536xf32>
    %mul3A_116 = vector.broadcast %slice3A_114 : vector<1x1536xf32> to vector<32x1536xf32>
    %mul3A_117 = arith.mulf %mul3A_116, %slice3A_115 : vector<32x1536xf32>
    %add3A_118 = arith.addf %add3A_113, %mul3A_117 : vector<32x1536xf32>
    %slice3A_119 = vector.extract_strided_slice %logistic3A_64 {offsets = [11, 0], sizes = [1, 1536], strides = [1, 1]} : vector<16x1536xf32> to vector<1x1536xf32>
    %slice3A_120 = vector.extract_strided_slice %add3A_56 {offsets = [352, 0], sizes = [32, 1536], strides = [1, 1]} : vector<512x1536xf32> to vector<32x1536xf32>
    %mul3A_121 = vector.broadcast %slice3A_119 : vector<1x1536xf32> to vector<32x1536xf32>
    %mul3A_122 = arith.mulf %mul3A_121, %slice3A_120 : vector<32x1536xf32>
    %add3A_123 = arith.addf %add3A_118, %mul3A_122 : vector<32x1536xf32>
    %slice3A_124 = vector.extract_strided_slice %logistic3A_64 {offsets = [12, 0], sizes = [1, 1536], strides = [1, 1]} : vector<16x1536xf32> to vector<1x1536xf32>
    %slice3A_125 = vector.extract_strided_slice %add3A_56 {offsets = [384, 0], sizes = [32, 1536], strides = [1, 1]} : vector<512x1536xf32> to vector<32x1536xf32>
    %mul3A_126 = vector.broadcast %slice3A_124 : vector<1x1536xf32> to vector<32x1536xf32>
    %mul3A_127 = arith.mulf %mul3A_126, %slice3A_125 : vector<32x1536xf32>
    %add3A_128 = arith.addf %add3A_123, %mul3A_127 : vector<32x1536xf32>
    %slice3A_129 = vector.extract_strided_slice %logistic3A_64 {offsets = [13, 0], sizes = [1, 1536], strides = [1, 1]} : vector<16x1536xf32> to vector<1x1536xf32>
    %slice3A_130 = vector.extract_strided_slice %add3A_56 {offsets = [416, 0], sizes = [32, 1536], strides = [1, 1]} : vector<512x1536xf32> to vector<32x1536xf32>
    %mul3A_131 = vector.broadcast %slice3A_129 : vector<1x1536xf32> to vector<32x1536xf32>
    %mul3A_132 = arith.mulf %mul3A_131, %slice3A_130 : vector<32x1536xf32>
    %add3A_133 = arith.addf %add3A_128, %mul3A_132 : vector<32x1536xf32>
    %slice3A_134 = vector.extract_strided_slice %logistic3A_64 {offsets = [14, 0], sizes = [1, 1536], strides = [1, 1]} : vector<16x1536xf32> to vector<1x1536xf32>
    %slice3A_135 = vector.extract_strided_slice %add3A_56 {offsets = [448, 0], sizes = [32, 1536], strides = [1, 1]} : vector<512x1536xf32> to vector<32x1536xf32>
    %mul3A_136 = vector.broadcast %slice3A_134 : vector<1x1536xf32> to vector<32x1536xf32>
    %mul3A_137 = arith.mulf %mul3A_136, %slice3A_135 : vector<32x1536xf32>
    %add3A_138 = arith.addf %add3A_133, %mul3A_137 : vector<32x1536xf32>
    %slice3A_139 = vector.extract_strided_slice %logistic3A_64 {offsets = [15, 0], sizes = [1, 1536], strides = [1, 1]} : vector<16x1536xf32> to vector<1x1536xf32>
    %slice3A_140 = vector.extract_strided_slice %add3A_56 {offsets = [480, 0], sizes = [32, 1536], strides = [1, 1]} : vector<512x1536xf32> to vector<32x1536xf32>
    %mul3A_141 = vector.broadcast %slice3A_139 : vector<1x1536xf32> to vector<32x1536xf32>
    %mul3A_142 = arith.mulf %mul3A_141, %slice3A_140 : vector<32x1536xf32>
    %add3A_143 = arith.addf %add3A_138, %mul3A_142 : vector<32x1536xf32>
    %get3A_144 = arith.constant 0 : index
    %get3A_145 = arith.constant 0 : index
    %get3A_146 = vector.load %arg8[%get3A_144, %get3A_145] : memref<16x16xf32, #tpu.memory_space<vmem>>, vector<16x16xf32>
    %dot_general3A_147 = arith.constant dense<0.000000e+00> : vector<16x1536xf32>
    %dot_general3A_148 = tpu.matmul %get3A_146, %get3A_45, %dot_general3A_147 {dimension_numbers = #tpu.dot_dimension_numbers<[0], [0], [1], [1], [0, 1, 1, 1], [], []>, transpose_lhs_hint = false} : vector<16x16xf32>, vector<16x1536xf32>, vector<16x1536xf32> -> vector<16x1536xf32>
    %get3A_149 = arith.constant 0 : index
    %get3A_150 = arith.constant 0 : index
    %get3A_151 = vector.load %arg9[%get3A_149, %get3A_150] : memref<16x32xf32, #tpu.memory_space<vmem>>, vector<16x32xf32>
    %dot_general3A_152 = arith.constant dense<0.000000e+00> : vector<16x1536xf32>
    %dot_general3A_153 = tpu.matmul %get3A_151, %add3A_39, %dot_general3A_152 {dimension_numbers = #tpu.dot_dimension_numbers<[1], [0], [0], [1], [0, 0, 1, 1], [], []>, transpose_lhs_hint = false} : vector<16x32xf32>, vector<32x1536xf32>, vector<16x1536xf32> -> vector<16x1536xf32>
    %add3A_154 = arith.addf %dot_general3A_148, %dot_general3A_153 : vector<16x1536xf32>
    %swap3A_155 = arith.constant 0 : index
    %swap3A_156 = arith.constant 0 : index
    %swap3A_157 = vector.load %arg14[%swap3A_155, %swap3A_156] : memref<16x1536xf32, #tpu.memory_space<vmem>>, vector<16x1536xf32>
    tpu.vector_store %arg14[%swap3A_155, %swap3A_156], %add3A_154 {strides = array<i32>} : memref<16x1536xf32, #tpu.memory_space<vmem>>, vector<16x1536xf32>,
    %get3A_158 = arith.constant 0 : index
    %get3A_159 = arith.constant 0 : index
    %get3A_160 = vector.load %arg11[%get3A_158, %get3A_159] : memref<768x1536xf32, #tpu.memory_space<vmem>>, vector<768x1536xf32>
    %dot_general3A_161 = arith.constant dense<0.000000e+00> : vector<32x768xf32>
    %dot_general3A_162 = tpu.matmul %add3A_143, %get3A_160, %dot_general3A_161 {dimension_numbers = #tpu.dot_dimension_numbers<[1], [1], [0], [0], [0, 0, 1, 0], [], []>, transpose_lhs_hint = false} : vector<32x1536xf32>, vector<768x1536xf32>, vector<32x768xf32> -> vector<32x768xf32>
    %get3A_163 = arith.constant 0 : index
    %get3A_164 = vector.load %arg12[%get3A_163] : memref<768xf32, #tpu.memory_space<vmem>>, vector<768xf32>
    %broadcast_in_dim3A = vector.shape_cast %get3A_164 : vector<768xf32> to vector<1x768xf32>
    %add3A_165 = vector.broadcast %broadcast_in_dim3A : vector<1x768xf32> to vector<32x768xf32>
    %add3A_166 = arith.addf %dot_general3A_162, %add3A_165 : vector<32x768xf32>
    %swap3A_167 = arith.constant 0 : index
    %swap3A_168 = arith.constant 0 : index
    %swap3A_169 = arith.constant 0 : index
    %swap3A_170 = vector.load %arg13[%swap3A_167, %swap3A_168, %swap3A_169] : memref<1x32x768xf32, #tpu.memory_space<vmem>>, vector<1x32x768xf32>
    %swap3A_171 = vector.shape_cast %swap3A_170 : vector<1x32x768xf32> to vector<32x768xf32>
    %swap3A_172 = vector.shape_cast %add3A_166 : vector<32x768xf32> to vector<1x32x768xf32>
    tpu.vector_store %arg13[%swap3A_167, %swap3A_168, %swap3A_169], %swap3A_172 {strides = array<i32>} : memref<1x32x768xf32, #tpu.memory_space<vmem>>, vector<1x32x768xf32>,
    return
  }
  func.func @transform_0(%arg0: i32, %arg1: i32) -> (i32, i32, i32) {
    %c0_i32 = arith.constant 0 : i32
    %c0_i32_0 = arith.constant 0 : i32
    %c0_i32_1 = arith.constant 0 : i32
    return %arg0, %c0_i32, %c0_i32_0 : i32, i32, i32
  }
  func.func @transform_1(%arg0: i32, %arg1: i32) -> (i32, i32) {
    %c0_i32 = arith.constant 0 : i32
    %c0_i32_0 = arith.constant 0 : i32
    %c0_i32_1 = arith.constant 0 : i32
    return %c0_i32, %c0_i32_0 : i32, i32
  }
  func.func @transform_2(%arg0: i32, %arg1: i32) -> (i32, i32) {
    %c0_i32 = arith.constant 0 : i32
    %c0_i32_0 = arith.constant 0 : i32
    %c0_i32_1 = arith.constant 0 : i32
    return %c0_i32, %c0_i32_0 : i32, i32
  }
  func.func @transform_3(%arg0: i32, %arg1: i32) -> (i32, i32) {
    %c0_i32 = arith.constant 0 : i32
    %c0_i32_0 = arith.constant 0 : i32
    %c0_i32_1 = arith.constant 0 : i32
    return %c0_i32, %c0_i32_0 : i32, i32
  }
  func.func @transform_4(%arg0: i32, %arg1: i32) -> (i32, i32) {
    %c0_i32 = arith.constant 0 : i32
    %c0_i32_0 = arith.constant 0 : i32
    %c0_i32_1 = arith.constant 0 : i32
    return %c0_i32, %c0_i32_0 : i32, i32
  }
  func.func @transform_5(%arg0: i32, %arg1: i32) -> (i32, i32) {
    %c0_i32 = arith.constant 0 : i32
    %c0_i32_0 = arith.constant 0 : i32
    %c0_i32_1 = arith.constant 0 : i32
    return %c0_i32, %c0_i32_0 : i32, i32
  }
  func.func @transform_6(%arg0: i32, %arg1: i32) -> (i32, i32) {
    %c0_i32 = arith.constant 0 : i32
    %c0_i32_0 = arith.constant 0 : i32
    %c0_i32_1 = arith.constant 0 : i32
    return %c0_i32, %c0_i32_0 : i32, i32
  }
  func.func @transform_7(%arg0: i32, %arg1: i32) -> (i32, i32) {
    %c0_i32 = arith.constant 0 : i32
    %c0_i32_0 = arith.constant 0 : i32
    %c0_i32_1 = arith.constant 0 : i32
    return %c0_i32, %c0_i32_0 : i32, i32
  }
  func.func @transform_8(%arg0: i32, %arg1: i32) -> (i32, i32) {
    %c0_i32 = arith.constant 0 : i32
    %c0_i32_0 = arith.constant 0 : i32
    %c0_i32_1 = arith.constant 0 : i32
    return %c0_i32, %c0_i32_0 : i32, i32
  }
  func.func @transform_9(%arg0: i32, %arg1: i32) -> (i32, i32) {
    %c0_i32 = arith.constant 0 : i32
    %c0_i32_0 = arith.constant 0 : i32
    %c0_i32_1 = arith.constant 0 : i32
    return %c0_i32, %c0_i32_0 : i32, i32
  }
  func.func @transform_10(%arg0: i32, %arg1: i32) -> i32 {
    %c0_i32 = arith.constant 0 : i32
    %c0_i32_0 = arith.constant 0 : i32
    return %c0_i32 : i32
  }
  func.func @transform_11(%arg0: i32, %arg1: i32) -> (i32, i32, i32) {
    %c0_i32 = arith.constant 0 : i32
    %c0_i32_0 = arith.constant 0 : i32
    return %arg0, %arg1, %c0_i32 : i32, i32, i32
  }
}

module attributes {stable_mosaic.version = 14 : i64} {
  func.func @_scatter_kernel(%arg0: i32, %arg1: i32, %arg2: memref<1x1x512xi32, #tpu.memory_space<vmem>>, %arg3: memref<1x640x768xf32, #tpu.memory_space<vmem>>, %arg4: memref<1x512x768xf32, #tpu.memory_space<vmem>>, %arg5: memref<1x512x768xf32, #tpu.memory_space<vmem>>) attributes {dimension_semantics = [#tpu.dimension_semantics<arbitrary>, #tpu.dimension_semantics<arbitrary>], iteration_bounds = array<i64: 2, 4>, scalar_prefetch = 0 : i64, scratch_operands = 0 : i64, tpu.core_type = #tpu.core_type<tc>, window_params = [{transform_indices = @transform_0, window_bounds = array<i64: 1, 1, 512>}, {transform_indices = @transform_1, window_bounds = array<i64: 1, 640, 768>}, {transform_indices = @transform_2, window_bounds = array<i64: 1, 512, 768>}, {transform_indices = @transform_3, window_bounds = array<i64: 1, 512, 768>}]} {
    %get3A = arith.constant 0 : index
    %get3A_0 = arith.constant 0 : index
    %get3A_1 = arith.constant 0 : index
    %get3A_2 = vector.load %arg2[%get3A, %get3A_0, %get3A_1] : memref<1x1x512xi32, #tpu.memory_space<vmem>>, vector<1x1x512xi32>
    %get3A_3 = vector.shape_cast %get3A_2 : vector<1x1x512xi32> to vector<1x512xi32>
    %reshape3A = vector.shape_cast %get3A_3 : vector<1x512xi32> to vector<512x1xi32>
    %get3A_4 = arith.constant 0 : index
    %get3A_5 = arith.constant 0 : index
    %get3A_6 = arith.constant 0 : index
    %get3A_7 = vector.load %arg4[%get3A_4, %get3A_5, %get3A_6] : memref<1x512x768xf32, #tpu.memory_space<vmem>>, vector<1x512x768xf32>
    %get3A_8 = vector.shape_cast %get3A_7 : vector<1x512x768xf32> to vector<512x768xf32>
    %swap3A = arith.constant 0 : index
    %swap3A_9 = arith.constant 0 : index
    %swap3A_10 = arith.constant 0 : index
    %swap3A_11 = vector.load %arg5[%swap3A, %swap3A_9, %swap3A_10] : memref<1x512x768xf32, #tpu.memory_space<vmem>>, vector<1x512x768xf32>
    %swap3A_12 = vector.shape_cast %swap3A_11 : vector<1x512x768xf32> to vector<512x768xf32>
    %swap3A_13 = vector.shape_cast %get3A_8 : vector<512x768xf32> to vector<1x512x768xf32>
    tpu.vector_store %arg5[%swap3A, %swap3A_9, %swap3A_10], %swap3A_13 {strides = array<i32>} : memref<1x512x768xf32, #tpu.memory_space<vmem>>, vector<1x512x768xf32>,
    %iota3A = tpu.iota {dimensions = array<i32: 1>} : vector<512x128xi32>
    %add3A = arith.constant 0 : i32
    %add3A_14 = vector.broadcast %add3A : i32 to vector<512x128xi32>
    %add3A_15 = arith.addi %iota3A, %add3A_14 : vector<512x128xi32>
    %eq3A = vector.broadcast %reshape3A : vector<512x1xi32> to vector<512x128xi32>
    %eq3A_16 = arith.cmpi eq, %eq3A, %add3A_15 : vector<512x128xi32>
    %lt3A = arith.constant 614 : i32
    %lt3A_17 = vector.broadcast %lt3A : i32 to vector<512x1xi32>
    %lt3A_18 = arith.cmpi slt, %reshape3A, %lt3A_17 : vector<512x1xi32>
    %and3A = vector.broadcast %lt3A_18 : vector<512x1xi1> to vector<512x128xi1>
    %and3A_19 = arith.andi %eq3A_16, %and3A : vector<512x128xi1>
    %convert_element_type3A = arith.extui %and3A_19 : vector<512x128xi1> to vector<512x128xi32>
    %convert_element_type3A_20 = arith.sitofp %convert_element_type3A : vector<512x128xi32> to vector<512x128xf32>
    %get3A_21 = arith.constant 0 : index
    %get3A_22 = arith.constant 0 : index
    %get3A_23 = arith.constant 0 : index
    %get3A_24 = vector.load %arg5[%get3A_21, %get3A_22, %get3A_23] : memref<1x512x768xf32, #tpu.memory_space<vmem>>, vector<1x512x768xf32>
    %get3A_25 = vector.shape_cast %get3A_24 : vector<1x512x768xf32> to vector<512x768xf32>
    %get3A_26 = arith.constant 0 : index
    %get3A_27 = arith.constant 0 : index
    %get3A_28 = arith.constant 0 : index
    %get3A_29 = vector.load %arg3[%get3A_26, %get3A_27, %get3A_28] : memref<1x640x768xf32, #tpu.memory_space<vmem>>, vector<1x128x768xf32>
    %get3A_30 = vector.shape_cast %get3A_29 : vector<1x128x768xf32> to vector<128x768xf32>
    %dot_general3A = arith.constant dense<0.000000e+00> : vector<512x768xf32>
    %dot_general3A_31 = tpu.matmul %convert_element_type3A_20, %get3A_30, %dot_general3A {dimension_numbers = #tpu.dot_dimension_numbers<[1], [0], [0], [1], [0, 0, 1, 1], [], []>, transpose_lhs_hint = false} : vector<512x128xf32>, vector<128x768xf32>, vector<512x768xf32> -> vector<512x768xf32>
    %add3A_32 = arith.addf %get3A_25, %dot_general3A_31 : vector<512x768xf32>
    %swap3A_33 = arith.constant 0 : index
    %swap3A_34 = arith.constant 0 : index
    %swap3A_35 = arith.constant 0 : index
    %swap3A_36 = vector.load %arg5[%swap3A_33, %swap3A_34, %swap3A_35] : memref<1x512x768xf32, #tpu.memory_space<vmem>>, vector<1x512x768xf32>
    %swap3A_37 = vector.shape_cast %swap3A_36 : vector<1x512x768xf32> to vector<512x768xf32>
    %swap3A_38 = vector.shape_cast %add3A_32 : vector<512x768xf32> to vector<1x512x768xf32>
    tpu.vector_store %arg5[%swap3A_33, %swap3A_34, %swap3A_35], %swap3A_38 {strides = array<i32>} : memref<1x512x768xf32, #tpu.memory_space<vmem>>, vector<1x512x768xf32>,
    %iota3A_39 = tpu.iota {dimensions = array<i32: 1>} : vector<512x128xi32>
    %add3A_40 = arith.constant 128 : i32
    %add3A_41 = vector.broadcast %add3A_40 : i32 to vector<512x128xi32>
    %add3A_42 = arith.addi %iota3A_39, %add3A_41 : vector<512x128xi32>
    %eq3A_43 = vector.broadcast %reshape3A : vector<512x1xi32> to vector<512x128xi32>
    %eq3A_44 = arith.cmpi eq, %eq3A_43, %add3A_42 : vector<512x128xi32>
    %lt3A_45 = arith.constant 614 : i32
    %lt3A_46 = vector.broadcast %lt3A_45 : i32 to vector<512x1xi32>
    %lt3A_47 = arith.cmpi slt, %reshape3A, %lt3A_46 : vector<512x1xi32>
    %and3A_48 = vector.broadcast %lt3A_47 : vector<512x1xi1> to vector<512x128xi1>
    %and3A_49 = arith.andi %eq3A_44, %and3A_48 : vector<512x128xi1>
    %convert_element_type3A_50 = arith.extui %and3A_49 : vector<512x128xi1> to vector<512x128xi32>
    %convert_element_type3A_51 = arith.sitofp %convert_element_type3A_50 : vector<512x128xi32> to vector<512x128xf32>
    %get3A_52 = arith.constant 0 : index
    %get3A_53 = arith.constant 0 : index
    %get3A_54 = arith.constant 0 : index
    %get3A_55 = vector.load %arg5[%get3A_52, %get3A_53, %get3A_54] : memref<1x512x768xf32, #tpu.memory_space<vmem>>, vector<1x512x768xf32>
    %get3A_56 = vector.shape_cast %get3A_55 : vector<1x512x768xf32> to vector<512x768xf32>
    %get3A_57 = arith.constant 0 : index
    %get3A_58 = arith.constant 128 : index
    %get3A_59 = arith.constant 0 : index
    %get3A_60 = vector.load %arg3[%get3A_57, %get3A_58, %get3A_59] : memref<1x640x768xf32, #tpu.memory_space<vmem>>, vector<1x128x768xf32>
    %get3A_61 = vector.shape_cast %get3A_60 : vector<1x128x768xf32> to vector<128x768xf32>
    %dot_general3A_62 = arith.constant dense<0.000000e+00> : vector<512x768xf32>
    %dot_general3A_63 = tpu.matmul %convert_element_type3A_51, %get3A_61, %dot_general3A_62 {dimension_numbers = #tpu.dot_dimension_numbers<[1], [0], [0], [1], [0, 0, 1, 1], [], []>, transpose_lhs_hint = false} : vector<512x128xf32>, vector<128x768xf32>, vector<512x768xf32> -> vector<512x768xf32>
    %add3A_64 = arith.addf %get3A_56, %dot_general3A_63 : vector<512x768xf32>
    %swap3A_65 = arith.constant 0 : index
    %swap3A_66 = arith.constant 0 : index
    %swap3A_67 = arith.constant 0 : index
    %swap3A_68 = vector.load %arg5[%swap3A_65, %swap3A_66, %swap3A_67] : memref<1x512x768xf32, #tpu.memory_space<vmem>>, vector<1x512x768xf32>
    %swap3A_69 = vector.shape_cast %swap3A_68 : vector<1x512x768xf32> to vector<512x768xf32>
    %swap3A_70 = vector.shape_cast %add3A_64 : vector<512x768xf32> to vector<1x512x768xf32>
    tpu.vector_store %arg5[%swap3A_65, %swap3A_66, %swap3A_67], %swap3A_70 {strides = array<i32>} : memref<1x512x768xf32, #tpu.memory_space<vmem>>, vector<1x512x768xf32>,
    %iota3A_71 = tpu.iota {dimensions = array<i32: 1>} : vector<512x128xi32>
    %add3A_72 = arith.constant 256 : i32
    %add3A_73 = vector.broadcast %add3A_72 : i32 to vector<512x128xi32>
    %add3A_74 = arith.addi %iota3A_71, %add3A_73 : vector<512x128xi32>
    %eq3A_75 = vector.broadcast %reshape3A : vector<512x1xi32> to vector<512x128xi32>
    %eq3A_76 = arith.cmpi eq, %eq3A_75, %add3A_74 : vector<512x128xi32>
    %lt3A_77 = arith.constant 614 : i32
    %lt3A_78 = vector.broadcast %lt3A_77 : i32 to vector<512x1xi32>
    %lt3A_79 = arith.cmpi slt, %reshape3A, %lt3A_78 : vector<512x1xi32>
    %and3A_80 = vector.broadcast %lt3A_79 : vector<512x1xi1> to vector<512x128xi1>
    %and3A_81 = arith.andi %eq3A_76, %and3A_80 : vector<512x128xi1>
    %convert_element_type3A_82 = arith.extui %and3A_81 : vector<512x128xi1> to vector<512x128xi32>
    %convert_element_type3A_83 = arith.sitofp %convert_element_type3A_82 : vector<512x128xi32> to vector<512x128xf32>
    %get3A_84 = arith.constant 0 : index
    %get3A_85 = arith.constant 0 : index
    %get3A_86 = arith.constant 0 : index
    %get3A_87 = vector.load %arg5[%get3A_84, %get3A_85, %get3A_86] : memref<1x512x768xf32, #tpu.memory_space<vmem>>, vector<1x512x768xf32>
    %get3A_88 = vector.shape_cast %get3A_87 : vector<1x512x768xf32> to vector<512x768xf32>
    %get3A_89 = arith.constant 0 : index
    %get3A_90 = arith.constant 256 : index
    %get3A_91 = arith.constant 0 : index
    %get3A_92 = vector.load %arg3[%get3A_89, %get3A_90, %get3A_91] : memref<1x640x768xf32, #tpu.memory_space<vmem>>, vector<1x128x768xf32>
    %get3A_93 = vector.shape_cast %get3A_92 : vector<1x128x768xf32> to vector<128x768xf32>
    %dot_general3A_94 = arith.constant dense<0.000000e+00> : vector<512x768xf32>
    %dot_general3A_95 = tpu.matmul %convert_element_type3A_83, %get3A_93, %dot_general3A_94 {dimension_numbers = #tpu.dot_dimension_numbers<[1], [0], [0], [1], [0, 0, 1, 1], [], []>, transpose_lhs_hint = false} : vector<512x128xf32>, vector<128x768xf32>, vector<512x768xf32> -> vector<512x768xf32>
    %add3A_96 = arith.addf %get3A_88, %dot_general3A_95 : vector<512x768xf32>
    %swap3A_97 = arith.constant 0 : index
    %swap3A_98 = arith.constant 0 : index
    %swap3A_99 = arith.constant 0 : index
    %swap3A_100 = vector.load %arg5[%swap3A_97, %swap3A_98, %swap3A_99] : memref<1x512x768xf32, #tpu.memory_space<vmem>>, vector<1x512x768xf32>
    %swap3A_101 = vector.shape_cast %swap3A_100 : vector<1x512x768xf32> to vector<512x768xf32>
    %swap3A_102 = vector.shape_cast %add3A_96 : vector<512x768xf32> to vector<1x512x768xf32>
    tpu.vector_store %arg5[%swap3A_97, %swap3A_98, %swap3A_99], %swap3A_102 {strides = array<i32>} : memref<1x512x768xf32, #tpu.memory_space<vmem>>, vector<1x512x768xf32>,
    %iota3A_103 = tpu.iota {dimensions = array<i32: 1>} : vector<512x128xi32>
    %add3A_104 = arith.constant 384 : i32
    %add3A_105 = vector.broadcast %add3A_104 : i32 to vector<512x128xi32>
    %add3A_106 = arith.addi %iota3A_103, %add3A_105 : vector<512x128xi32>
    %eq3A_107 = vector.broadcast %reshape3A : vector<512x1xi32> to vector<512x128xi32>
    %eq3A_108 = arith.cmpi eq, %eq3A_107, %add3A_106 : vector<512x128xi32>
    %lt3A_109 = arith.constant 614 : i32
    %lt3A_110 = vector.broadcast %lt3A_109 : i32 to vector<512x1xi32>
    %lt3A_111 = arith.cmpi slt, %reshape3A, %lt3A_110 : vector<512x1xi32>
    %and3A_112 = vector.broadcast %lt3A_111 : vector<512x1xi1> to vector<512x128xi1>
    %and3A_113 = arith.andi %eq3A_108, %and3A_112 : vector<512x128xi1>
    %convert_element_type3A_114 = arith.extui %and3A_113 : vector<512x128xi1> to vector<512x128xi32>
    %convert_element_type3A_115 = arith.sitofp %convert_element_type3A_114 : vector<512x128xi32> to vector<512x128xf32>
    %get3A_116 = arith.constant 0 : index
    %get3A_117 = arith.constant 0 : index
    %get3A_118 = arith.constant 0 : index
    %get3A_119 = vector.load %arg5[%get3A_116, %get3A_117, %get3A_118] : memref<1x512x768xf32, #tpu.memory_space<vmem>>, vector<1x512x768xf32>
    %get3A_120 = vector.shape_cast %get3A_119 : vector<1x512x768xf32> to vector<512x768xf32>
    %get3A_121 = arith.constant 0 : index
    %get3A_122 = arith.constant 384 : index
    %get3A_123 = arith.constant 0 : index
    %get3A_124 = vector.load %arg3[%get3A_121, %get3A_122, %get3A_123] : memref<1x640x768xf32, #tpu.memory_space<vmem>>, vector<1x128x768xf32>
    %get3A_125 = vector.shape_cast %get3A_124 : vector<1x128x768xf32> to vector<128x768xf32>
    %dot_general3A_126 = arith.constant dense<0.000000e+00> : vector<512x768xf32>
    %dot_general3A_127 = tpu.matmul %convert_element_type3A_115, %get3A_125, %dot_general3A_126 {dimension_numbers = #tpu.dot_dimension_numbers<[1], [0], [0], [1], [0, 0, 1, 1], [], []>, transpose_lhs_hint = false} : vector<512x128xf32>, vector<128x768xf32>, vector<512x768xf32> -> vector<512x768xf32>
    %add3A_128 = arith.addf %get3A_120, %dot_general3A_127 : vector<512x768xf32>
    %swap3A_129 = arith.constant 0 : index
    %swap3A_130 = arith.constant 0 : index
    %swap3A_131 = arith.constant 0 : index
    %swap3A_132 = vector.load %arg5[%swap3A_129, %swap3A_130, %swap3A_131] : memref<1x512x768xf32, #tpu.memory_space<vmem>>, vector<1x512x768xf32>
    %swap3A_133 = vector.shape_cast %swap3A_132 : vector<1x512x768xf32> to vector<512x768xf32>
    %swap3A_134 = vector.shape_cast %add3A_128 : vector<512x768xf32> to vector<1x512x768xf32>
    tpu.vector_store %arg5[%swap3A_129, %swap3A_130, %swap3A_131], %swap3A_134 {strides = array<i32>} : memref<1x512x768xf32, #tpu.memory_space<vmem>>, vector<1x512x768xf32>,
    %iota3A_135 = tpu.iota {dimensions = array<i32: 1>} : vector<512x128xi32>
    %add3A_136 = arith.constant 512 : i32
    %add3A_137 = vector.broadcast %add3A_136 : i32 to vector<512x128xi32>
    %add3A_138 = arith.addi %iota3A_135, %add3A_137 : vector<512x128xi32>
    %eq3A_139 = vector.broadcast %reshape3A : vector<512x1xi32> to vector<512x128xi32>
    %eq3A_140 = arith.cmpi eq, %eq3A_139, %add3A_138 : vector<512x128xi32>
    %lt3A_141 = arith.constant 614 : i32
    %lt3A_142 = vector.broadcast %lt3A_141 : i32 to vector<512x1xi32>
    %lt3A_143 = arith.cmpi slt, %reshape3A, %lt3A_142 : vector<512x1xi32>
    %and3A_144 = vector.broadcast %lt3A_143 : vector<512x1xi1> to vector<512x128xi1>
    %and3A_145 = arith.andi %eq3A_140, %and3A_144 : vector<512x128xi1>
    %convert_element_type3A_146 = arith.extui %and3A_145 : vector<512x128xi1> to vector<512x128xi32>
    %convert_element_type3A_147 = arith.sitofp %convert_element_type3A_146 : vector<512x128xi32> to vector<512x128xf32>
    %get3A_148 = arith.constant 0 : index
    %get3A_149 = arith.constant 0 : index
    %get3A_150 = arith.constant 0 : index
    %get3A_151 = vector.load %arg5[%get3A_148, %get3A_149, %get3A_150] : memref<1x512x768xf32, #tpu.memory_space<vmem>>, vector<1x512x768xf32>
    %get3A_152 = vector.shape_cast %get3A_151 : vector<1x512x768xf32> to vector<512x768xf32>
    %get3A_153 = arith.constant 0 : index
    %get3A_154 = arith.constant 512 : index
    %get3A_155 = arith.constant 0 : index
    %get3A_156 = vector.load %arg3[%get3A_153, %get3A_154, %get3A_155] : memref<1x640x768xf32, #tpu.memory_space<vmem>>, vector<1x128x768xf32>
    %get3A_157 = vector.shape_cast %get3A_156 : vector<1x128x768xf32> to vector<128x768xf32>
    %dot_general3A_158 = arith.constant dense<0.000000e+00> : vector<512x768xf32>
    %dot_general3A_159 = tpu.matmul %convert_element_type3A_147, %get3A_157, %dot_general3A_158 {dimension_numbers = #tpu.dot_dimension_numbers<[1], [0], [0], [1], [0, 0, 1, 1], [], []>, transpose_lhs_hint = false} : vector<512x128xf32>, vector<128x768xf32>, vector<512x768xf32> -> vector<512x768xf32>
    %add3A_160 = arith.addf %get3A_152, %dot_general3A_159 : vector<512x768xf32>
    %swap3A_161 = arith.constant 0 : index
    %swap3A_162 = arith.constant 0 : index
    %swap3A_163 = arith.constant 0 : index
    %swap3A_164 = vector.load %arg5[%swap3A_161, %swap3A_162, %swap3A_163] : memref<1x512x768xf32, #tpu.memory_space<vmem>>, vector<1x512x768xf32>
    %swap3A_165 = vector.shape_cast %swap3A_164 : vector<1x512x768xf32> to vector<512x768xf32>
    %swap3A_166 = vector.shape_cast %add3A_160 : vector<512x768xf32> to vector<1x512x768xf32>
    tpu.vector_store %arg5[%swap3A_161, %swap3A_162, %swap3A_163], %swap3A_166 {strides = array<i32>} : memref<1x512x768xf32, #tpu.memory_space<vmem>>, vector<1x512x768xf32>,
    return
  }
  func.func @transform_0(%arg0: i32, %arg1: i32) -> (i32, i32, i32) {
    %c0_i32 = arith.constant 0 : i32
    %c0_i32_0 = arith.constant 0 : i32
    return %arg0, %c0_i32, %arg1 : i32, i32, i32
  }
  func.func @transform_1(%arg0: i32, %arg1: i32) -> (i32, i32, i32) {
    %c0_i32 = arith.constant 0 : i32
    %c0_i32_0 = arith.constant 0 : i32
    %c0_i32_1 = arith.constant 0 : i32
    return %arg0, %c0_i32, %c0_i32_0 : i32, i32, i32
  }
  func.func @transform_2(%arg0: i32, %arg1: i32) -> (i32, i32, i32) {
    %c0_i32 = arith.constant 0 : i32
    %c0_i32_0 = arith.constant 0 : i32
    return %arg0, %arg1, %c0_i32 : i32, i32, i32
  }
  func.func @transform_3(%arg0: i32, %arg1: i32) -> (i32, i32, i32) {
    %c0_i32 = arith.constant 0 : i32
    %c0_i32_0 = arith.constant 0 : i32
    return %arg0, %arg1, %c0_i32 : i32, i32, i32
  }
}

</mosaic_0001>

<sc_bundles>
// kernel: kernel.8.cloned.1.call-start
scs
__scs_entry_jumppad:
0x0: {  	(pc) =	sbr.rel $0x88, $3  }
0x1: {  	(tag) =	ssettag $0x0;
	lr =	simm.s32 $0x1  }
0x2: {  	[smem:$0x3F97] =	sst lr;
	_ =	strace $0xD0000000  }
0x3: {  	_ = 	snop  }
0x4: {  	_ = 	snop  }
0x5: {  	_ = 	snop  }
0x6: {  	_ = 	snop  }
0x7: {  	_ = 	snop  }
__scs_overlays_trampoline_lowered:
0x8: {  	[smem:$0x3FA6] =	sst s0  }
0x9: {  	[smem:$0x3FA7] =	sst s1  }
0xa: {  	[smem:$0x3FA8] =	sst s2  }
0xb: {  	[smem:$0x3FA9] =	sst s3  }
0xc: {  	[smem:$0x3FAA] =	sst s4  }
0xd: {  	[smem:$0x3FAB] =	sst s5  }
0xe: {  	[smem:$0x3FAC] =	sst s6  }
0xf: {  	[smem:$0x3FAD] =	sst s7  }
0x10: {  	[smem:$0x3FAE] =	sst s8  }
0x11: {  	[smem:$0x3FAF] =	sst s9;
	s0 =	simm.s32 @!p0 $0x0  }
0x12: {  	s1 =	sld [smem:$0x3F95];
	s0 =	simm.s32 @p0 $0x1  }
0x13: {  	[smem:$0x3FB0] =	sst s0;
	s0 =	simm.s32 @!p1 $0x0  }
0x14: {  	s2 =	sld [smem:$0x3F94];
	s0 =	simm.s32 @p1 $0x1  }
0x15: {  	[smem:$0x3FB1] =	sst s0;
	s0 =	simm.s32 @!p2 $0x0  }
0x16: {  	s3 =	sld [smem:$0x3FDB];
	s0 =	simm.s32 @p2 $0x1  }
0x17: {  	s4 =	simm.s32 $0x1BF5;
	[smem:$0x3FB3] =	sst s0  }
0x18: {  	s0 =	sld [smem:$0x3F96];
	_ =	swait.ge [sflag:s4], $0x0  }
0x19: {  	s7 =	sld [smem:$0x3F97]  }
0x1a: {  	s8 =	sadd.s32 $0xFFFFE003, lr  }
0x1b: {  	s9 =	sadd.s32 $0xFFFFFEF7, lr;
	s5 =	simm.s32 $0xFFFFFFFF;
	p2 =	slt.u32 s8, $0xFFFFF086  }
0x1c: {  	p1 =	slt.u32 s9, $0xF7A;
	s5 =	simm.s32 @!p2 $0x0  }
0x1d: {  	s5 =	simm.s32 @p1 $0x1;
	p0 =	seq.s32 s7, s2  }
0x1e: {  	s7 =	smul.u32 @!p0 $0xF7A, s2;
	p2 =	seq.s32 @!p0 s5, $0x0  }
0x1f: {  	s9 =	smul.u32 $0xF7A, s1;
	s8 =	simm.s32 @!p0 $0x1BF5;
	p2 =	por !p2, p0  }
0x20: {  	[sflag:s8] =	ssyncset.s32 @!p0 $0xFFFFF086;
	s6 =	sadd.s32 @!p0 s3, s7;
	s7 =	simm.s32 @!p0 $0x108  }
0x21: {  	s3 =	sadd.s32 s3, s9;
	s6 =	sadd.s32 @!p0 $0x88, s6;
	s7 =	simm.s32 @p2 $0x1082  }
0x22: {  	[simem:s7], [sflag:s8] =	dma.local @!p0 [hbm:s6], $0xF7A  }
0x23: {  	s9 =	sor.u32 $0xD0000000, s2;
	s6 =	simm.s32 $0x108;
	_ =	swait.ge @!p0 [sflag:s8], $0x0  }
0x24: {  	s3 =	sadd.s32 $0x88, s3;
	s6 =	simm.s32 @!p1 $0x1082;
	[sflag:s4] =	ssyncset.s32 $0xFFFFF086  }
0x25: {  	[simem:s6], [sflag:s4] =	dma.local [hbm:s3], $0xF7A  }
0x26: {  	[smem:$0x3F97] =	sst s1;
	(tag) =	ssettag s2;
	_ =	strace s9  }
0x27: {  	s1 =	sld [smem:$0x3FA7]  }
0x28: {  	s2 =	sld [smem:$0x3FA8]  }
0x29: {  	s4 =	sld [smem:$0x3FAA]  }
0x2a: {  	p0 =	seq.s32 s5, $0x0;
	s5 =	sld [smem:$0x3FAB]  }
0x2b: {  	s6 =	sld [smem:$0x3FAC]  }
0x2c: {  	s7 =	sld [smem:$0x3FAD]  }
0x2d: {  	s3 =	simm.s32 $0x108;
	s8 =	sld [smem:$0x3FAE]  }
0x2e: {  	s3 =	simm.s32 @!p0 $0x1082;
	s9 =	sld [smem:$0x3FAF]  }
0x2f: {  	lr =	sadd.s32 s0, s3;
	s0 =	sld [smem:$0x3FA6]  }
0x30: {  	s3 =	sld [smem:$0x3FA9]  }
0x31: {  	[smem:$0x3FB2] =	sst s10  }
0x32: {  	s10 =	sld [smem:$0x3FB0];
	_ =	sdelay $0x3  }
0x33: {  	p0 =	seq.s32 s10, $0x1;
	s10 =	sld [smem:$0x3FB2];
	_ =	sdelay $0x3  }
0x34: {  	[smem:$0x3FB2] =	sst s10  }
0x35: {  	s10 =	sld [smem:$0x3FB1];
	_ =	sdelay $0x3  }
0x36: {  	p1 =	seq.s32 s10, $0x1;
	s10 =	sld [smem:$0x3FB2];
	_ =	sdelay $0x3  }
0x37: {  	[smem:$0x3FB2] =	sst s10  }
0x38: {  	s10 =	sld [smem:$0x3FB3]  }
0x39: {  	_ = 	snop;
	(pc) =	sbr.ind lr, $3  }
0x3a: {  	_ = 	snop  }
0x3b: {  	_ = 	snop  }
0x3c: {  	p2 =	seq.s32 s10, $0x1;
	s10 =	sld [smem:$0x3FB2]  }
0x3d: {  	_ =	shalt  }
0x3e: {  	_ =	shalt  }
0x3f: {  	_ =	shalt  }
0x40: {  	_ =	shalt  }
0x41: {  	_ =	shalt  }
0x42: {  	_ =	shalt  }
0x43: {  	_ =	shalt  }
0x44: {  	_ =	shalt  }
0x45: {  	_ =	shalt  }
0x46: {  	_ =	shalt  }
0x47: {  	_ =	shalt  }
0x48: {  	_ =	shalt  }
0x49: {  	_ =	shalt  }
0x4a: {  	_ =	shalt  }
0x4b: {  	_ =	shalt  }
0x4c: {  	_ =	shalt  }
0x4d: {  	_ =	shalt  }
0x4e: {  	_ =	shalt  }
0x4f: {  	_ =	shalt  }
0x50: {  	_ =	shalt  }
0x51: {  	_ =	shalt  }
0x52: {  	_ =	shalt  }
0x53: {  	_ =	shalt  }
0x54: {  	_ =	shalt  }
0x55: {  	_ =	shalt  }
0x56: {  	_ =	shalt  }
0x57: {  	_ =	shalt  }
0x58: {  	_ =	shalt  }
0x59: {  	_ =	shalt  }
0x5a: {  	_ =	shalt  }
0x5b: {  	_ =	shalt  }
0x5c: {  	_ =	shalt  }
0x5d: {  	_ =	shalt  }
0x5e: {  	_ =	shalt  }
0x5f: {  	_ =	shalt  }
0x60: {  	_ =	shalt  }
0x61: {  	_ =	shalt  }
0x62: {  	_ =	shalt  }
0x63: {  	_ =	shalt  }
0x64: {  	_ =	shalt  }
0x65: {  	_ =	shalt  }
0x66: {  	_ =	shalt  }
0x67: {  	_ =	shalt  }
0x68: {  	_ =	shalt  }
0x69: {  	_ =	shalt  }
0x6a: {  	_ =	shalt  }
0x6b: {  	_ =	shalt  }
0x6c: {  	_ =	shalt  }
0x6d: {  	_ =	shalt  }
0x6e: {  	_ =	shalt  }
0x6f: {  	_ =	shalt  }
0x70: {  	_ =	shalt  }
0x71: {  	_ =	shalt  }
0x72: {  	_ =	shalt  }
0x73: {  	_ =	shalt  }
0x74: {  	_ =	shalt  }
0x75: {  	_ =	shalt  }
0x76: {  	_ =	shalt  }
0x77: {  	_ =	shalt  }
0x78: {  	_ =	shalt  }
0x79: {  	_ =	shalt  }
0x7a: {  	_ =	shalt  }
0x7b: {  	_ =	shalt  }
0x7c: {  	_ =	shalt  }
0x7d: {  	_ =	shalt  }
0x7e: {  	_ =	shalt  }
0x7f: {  	_ =	shalt  }
0x80: {  	_ =	shalt  }
0x81: {  	_ =	shalt  }
0x82: {  	_ =	shalt  }
0x83: {  	_ =	shalt  }
0x84: {  	_ =	shalt  }
0x85: {  	_ =	shalt  }
0x86: {  	_ =	shalt  }
0x87: {  	_ =	shalt  }
.Lfunc_end0:
.L_simem_size_0:
called_computation_lowered:
.L_overlay_start_0:
0x88: {  	s2 =	sld [smem:$0x3FD9]  }
0x89: {  	s3 =	sld [smem:$0x3FFE];
	_ =	sdelay $0x1  }
0x8a: {  	s1 =	srdreg.scid  }
0x8b: {  	s0 =	sand.u32 $0x1, s1  }
0x8c: {  	s17 =	sshll.u32 s0, $0xA;
	s2 =	sadd.s32 s3, s2  }
0x8d: {  	s2 =	sadd.s32 s2, s17  }
0x8e: {  	[smem:$0x3FBE] =	sst s2  }
0x8f: {  	_ = 	snop  }
0x90: {  	s2 =	sld [smem:$0x3FD0];
	(tm) =	ssettm $0x1  }
0x91: {  	s18 =	sld [smem:$0x3FFB];
	_ =	sdelay $0x3  }
0x92: {  	_ =	strace s18  }
0x93: {  	s3 =	sld [smem:$0x3FFC];
	_ =	sdelay $0x3  }
0x94: {  	_ =	strace s3  }
0x95: {  	s3 =	sld [smem:$0x3FFD];
	_ =	sdelay $0x3  }
0x96: {  	_ =	strace s3  }
0x97: {  	_ =	strace $0x8FFFFFFF  }
0x98: {  	s19 =	sld [smem:$0x3FDB];
	_ =	sdelay $0x1  }
0x99: {  	s4 =	simm.s32 $_scs_section_size  }
0x9a: {  	s5 =	simm.s32 $_size__tile_overlayer_lowered;
	s6 =	simm.s32 $_tile_overlayer_lowered  }
0x9b: {  	s22 =	simm.s32 $0x1BFF;
	s21 =	sshll.u32 s6, $0x1;
	s3 =	sadd.s32 s4, s19  }
0x9c: {  	s7 =	simm.s32 $0x0;
	s20 =	sshll.u32 s5, $0x1;
	s5 =	sadd.s32 s21, s3  }
0x9d: {  	[timem:s7], [sflag:s22] =	dma.local [hbm:s5], s20  }
0x9e: {  	_ =	swait.ge [sflag:s22], s20  }
0x9f: {  	s4 =	ssub.s32 $0x0, s20;
	[sflag:s22] =	ssyncset.done $0x0  }
0xa0: {  	[sflag:s22] =	ssyncadd.s32 s4;
	_ =	sdelay $0x1  }
0xa1: {  	s23 =	simm.s32 $0x1B8B  }
0xa2: {  	_ =	swait.ge [sflag:s23], $0x1  }
0xa3: {  	[sflag:s23] =	ssyncset.done $0x0  }
0xa4: {  	s25 =	simm.s32 $0x1B8E;
	s24 =	sld [smem:$0x3FFE];
	[sflag:s23] =	ssyncadd.s32 $0xFFFFFFFF  }
0xa5: {  	s26 =	simm.s32 $execute0_lowered;
	[smem:$0x3FD2] =	sst s25  }
0xa6: {  	s5 =	sshll.u32 s26, $0x1;
	_ =	strace $0x80000046;
	[dreg:$0x1] =	wrdreg $0xFFFFFFFF  }
0xa7: {  	s28 =	simm.s32 $_size_execute0_lowered;
	s3 =	sadd.s32 s3, s5;
	[dreg:$0x0] =	wrdreg $0x0  }
0xa8: {  	s5 =	sshll.u32 s28, $0x1;
	[dreg:$0x2] =	wrdreg s3  }
0xa9: {  	[dreg:$0x3] =	wrdreg s5  }
0xaa: {  	[dreg:$0x4] =	wrdreg $0xC0  }
0xab: {  	_ =	task [dreg:s7], $0x5FFFF  }
0xac: {  	[dreg:$0x1] =	wrdreg $0xFFFFFFFF  }
0xad: {  	[dreg:$0x0] =	wrdreg $0x60  }
0xae: {  	[dreg:$0x2] =	wrdreg s24  }
0xaf: {  	[dreg:$0x3] =	wrdreg s2  }
0xb0: {  	[dreg:$0x4] =	wrdreg $0x9  }
0xb1: {  	_ =	task.clear_ibuf [dreg:s7], $0x5FFFF;
	_ =	strace $0x90000046  }
0xb2: {  	s29 =	simm.s32 $0x9;
	_ =	strace $0x80000048  }
0xb3: {  	_ =	swait.ge [sflag:s29], $0x1  }
0xb4: {  	[sflag:s29] =	ssyncadd.s32 $0xFFFFFFFF  }
0xb5: {  	_ =	strace $0x90000048  }
0xb6: {  	_ =	sfence  }
0xb7: {  	s30 =	sld [smem:$0x0];
	_ =	sdelay $0x2  }
0xb8: {  	s31 =	sshll.u32 s1, $0xD;
	s1 =	sshrl.u32 s1, $0x2  }
0xb9: {  	s3 =	sand.u32 $0x4000, s31;
	s1 =	sadd.s32 s1, s30  }
0xba: {  	s0 =	sor.u32 s3, s0;
	s1 =	sshll.u32 s1, $0x11  }
0xbb: {  	s0 =	sor.u32 s1, s0  }
0xbc: {  	s0 =	sadd.s32 $0x8F2B, s0  }
0xbd: {  	[sflag:s0] =	ssyncadd.remote.s32 $0x1  }
0xbe: {  	_ =	sfence.sel $0xFFFF  }
0xbf: {  	[dreg:$0x0] =	wrdreg $0xFFFFFFFF;
	(pc) =	sbr.abs _section_cstart, $3  }
0xc0: {  	[dreg:$0x1] =	wrdreg $0xFFFFFFFF  }
0xc1: {  	_ =	task.clear_ibuf [dreg:s7], $0x2FFFF;
	_ =	strace $0x9FFFFFFF  }
0xc2: {  	(tm) =	ssettm $0x7FFFFFFF  }
0xc3: {  	_ =	shalt  }
tec
execute0_lowered:
.L_overlay_start_1:
0x0: {  	(tag) =	ssettag $0x1  }
0x1: {  	s1 =	srdreg.scid;
	s8 =	rddreg [dreg:$0x0]  }
0x2: {  	s0 =	stileid.u32;
	s4 =	rddreg [dreg:$0x1];
	s20 =	simm.s32 $0x880  }
0x3: {  	s21 =	simm.s32 $0x1080;
	s22 =	simm.s32 $0x1880;
	s7 =	simm.s32 $0x2080  }
0x4: {  	s9 =	simm.s32 $0x2880;
	s23 =	simm.s32 $0x3080;
	s10 =	simm.s32 $0x3880  }
0x5: {  	s24 =	simm.s32 $0x4080;
	s1 =	sand.u32 $0x1, s1;
	s2 =	sshll.u32 s0, $0x1  }
0x6: {  	s25 =	simm.s32 $0x4880;
	s3 =	sor.u32 s1, s2;
	s2 =	simm.s32 $0x0  }
0x7: {  	s11 =	simm.s32 $0x80;
	s26 =	simm.s32 $0x5080;
	[smem:$0x7FF] =	sst s2  }
0x8: {  	s13 =	simm.s32 $0x6080;
	_ =	strace $0x80000047;
	[dreg:$0x5] =	wrdreg s20  }
0x9: {  	s14 =	simm.s32 $0x6880;
	s15 =	simm.s32 $0x7080;
	[dreg:$0x6] =	wrdreg s21  }
0xa: {  	s16 =	simm.s32 $0x7880;
	s17 =	simm.s32 $0x8080;
	[dreg:$0x7] =	wrdreg s22  }
0xb: {  	s18 =	simm.s32 $0x8880;
	s28 =	simm.s32 $0xD080;
	[dreg:$0x8] =	wrdreg s7  }
0xc: {  	s29 =	simm.s32 $0xD880;
	s30 =	simm.s32 $0xE080;
	[dreg:$0x9] =	wrdreg s9  }
0xd: {  	s31 =	simm.s32 $0xE880;
	s5 =	smul.u32 $0x5, s3;
	[dreg:$0xa] =	wrdreg s23  }
0xe: {  	s1 =	ssub.s32 $0x2, s1;
	s6 =	smul.u32 $0x1E00, s3;
	[dreg:$0xb] =	wrdreg s10  }
0xf: {  	s3 =	sadd.s32 $0xE00, s8;
	s19 =	sshrl.u32 s1, $0x1;
	[dreg:$0xc] =	wrdreg s24  }
0x10: {  	s1 =	ssub.s32 s1, s19;
	s7 =	sadd.s32 $0x1200, s8;
	[dreg:$0xd] =	wrdreg s25  }
0x11: {  	s10 =	simm.s32 $0x2;
	[dreg:$0xe] =	wrdreg s26;
	s19 =	simm.s32 $0x9080  }
0x12: {  	s20 =	simm.s32 $0x9880;
	s21 =	simm.s32 $0xA080;
	s22 =	simm.s32 $0xA880  }
0x13: {  	s23 =	simm.s32 $0xB080;
	s24 =	simm.s32 $0xB880;
	s25 =	simm.s32 $0xC080  }
0x14: {  	s26 =	simm.s32 $0xC880;
	s5 =	sadd.s32 s5, s8;
	s4 =	sadd.s32 s4, s6  }
0x15: {  	v2 =	vlaneseq.u32;
	s6 =	sadd.s32 $0x1100, s8;
	s9 =	smax.u32 s1, $0x1;
	s1 =	simm.s32 $0x1  }
0x16: {  	vm0 =	vmmov $0xffff;
	v1 =	vshrl.u32 v2, $0x3;
	s5 =	sadd.s32 $0xC0E00, s5;
	[dreg:$0x4] =	wrdreg s4;
	s4 =	sadd.s32 $0xF00, s8  }
0x17: {  	v0 =	vand.u32 $0x7, v2;
	v2 =	vor.u32 $0x8, v2;
	v1 =	vmul.u32 $0x8, v1;
	[dreg:$0x3] =	wrdreg s5;
	s5 =	sadd.s32 $0x1000, s8;
	s8 =	sadd.s32 $0x1300, s8  }
.LBB2_1:
0x18: {  	s0 =	rddreg [dreg:$0x3]  }
0x19: {  	[tilespmem:s2], [sflag:$0x2] =	stream.linear.gather [hbm4b:s0+s2], $0x28, $0x38;
	[tilespmem:$0xF080] =	vst v63  }
0x1a: {  	_ =	swait.ge [sflag:s10], $0x28  }
0x1b: {  	[sflag:s10] =	ssyncset.done $0x0  }
0x1c: {  	[sflag:s10] =	ssyncadd.s32 $0xFFFFFFD8  }
0x1d: {  	v3 =	vld [tilespmem:$0x0];
	_ =	sdelay $0x4  }
0x1e: {  	v4 =	vshrl.u32 v3, $0x3  }
0x1f: {  	v4 =	vmul.u32 $0x60, v4  }
0x20: {  	v3 =	vand.u32 $0x7, v3  }
0x21: {  	v3 =	vor.u32 v3, v4  }
0x22: {  	v4 =	vperm.xlane v3, v0;
	_ =	sdelay $0x1  }
0x23: {  	v4 =	vadd.s32 v1, v4;
	_ =	sdelay $0x4  }
0x24: {  	[tilespmem:s11], [sflag:$0x1] =	stream.indirect_vreg.gather [hbm4b:s3+s2], $0x80, v4, vm0, $0xb8;
	[tilespmem:$0xF080] =	vst v63  }
0x25: {  	s0 =	rddreg [dreg:$0x5]  }
0x26: {  	[tilespmem:s0], [sflag:$0x1] =	stream.indirect_vreg.gather [hbm4b:s4+s2], $0x80, v4, vm0, $0xb8;
	[tilespmem:$0xF080] =	vst v63  }
0x27: {  	s12 =	rddreg [dreg:$0x6]  }
0x28: {  	[tilespmem:s12], [sflag:$0x1] =	stream.indirect_vreg.gather [hbm4b:s5+s2], $0x80, v4, vm0, $0xb8;
	[tilespmem:$0xF080] =	vst v63  }
0x29: {  	v3 =	vperm.xlane v3, v2;
	s0 =	rddreg [dreg:$0x7]  }
0x2a: {  	[tilespmem:s0], [sflag:$0x1] =	stream.indirect_vreg.gather [hbm4b:s6+s2], $0x80, v4, vm0, $0xb8;
	[tilespmem:$0xF080] =	vst v63  }
0x2b: {  	v3 =	vadd.s32 v1, v3;
	s12 =	rddreg [dreg:$0x8]  }
0x2c: {  	[tilespmem:s12], [sflag:$0x1] =	stream.indirect_vreg.gather [hbm4b:s7+s2], $0x80, v4, vm0, $0xb8;
	[tilespmem:$0xF080] =	vst v63  }
0x2d: {  	s0 =	rddreg [dreg:$0x9]  }
0x2e: {  	[tilespmem:s0], [sflag:$0x1] =	stream.indirect_vreg.gather [hbm4b:s8+s2], $0x80, v4, vm0, $0xb8;
	[tilespmem:$0xF080] =	vst v63  }
0x2f: {  	s12 =	rddreg [dreg:$0xa]  }
0x30: {  	[tilespmem:s12], [sflag:$0x1] =	stream.indirect_vreg.gather [hbm4b:s3+s2], $0x80, v3, vm0, $0xb8;
	[tilespmem:$0xF080] =	vst v63  }
0x31: {  	s0 =	rddreg [dreg:$0xb]  }
0x32: {  	[tilespmem:s0], [sflag:$0x1] =	stream.indirect_vreg.gather [hbm4b:s4+s2], $0x80, v3, vm0, $0xb8;
	[tilespmem:$0xF080] =	vst v63  }
0x33: {  	s12 =	rddreg [dreg:$0xc]  }
0x34: {  	[tilespmem:s12], [sflag:$0x1] =	stream.indirect_vreg.gather [hbm4b:s5+s2], $0x80, v3, vm0, $0xb8;
	[tilespmem:$0xF080] =	vst v63  }
0x35: {  	s0 =	rddreg [dreg:$0xd]  }
0x36: {  	[tilespmem:s0], [sflag:$0x1] =	stream.indirect_vreg.gather [hbm4b:s6+s2], $0x80, v3, vm0, $0xb8;
	[tilespmem:$0xF080] =	vst v63  }
0x37: {  	s12 =	rddreg [dreg:$0xe]  }
0x38: {  	[tilespmem:s12], [sflag:$0x1] =	stream.indirect_vreg.gather [hbm4b:s7+s2], $0x80, v3, vm0, $0xb8;
	[tilespmem:$0xF080] =	vst v63  }
0x39: {  	s12 =	simm.s32 $0x5880  }
0x3a: {  	[tilespmem:s12], [sflag:$0x1] =	stream.indirect_vreg.gather [hbm4b:s8+s2], $0x80, v3, vm0, $0xb8;
	[tilespmem:$0xF080] =	vst v63  }
0x3b: {  	v3 =	vld [tilespmem:$0x10];
	_ =	sdelay $0x4  }
0x3c: {  	v62 =	vshrl.u32 v3, $0x3  }
0x3d: {  	v4 =	vmul.u32 $0x60, v62  }
0x3e: {  	v3 =	vand.u32 $0x7, v3  }
0x3f: {  	v3 =	vor.u32 v3, v4  }
0x40: {  	v4 =	vperm.xlane v3, v0;
	_ =	sdelay $0x1  }
0x41: {  	v4 =	vadd.s32 v1, v4;
	_ =	sdelay $0x4  }
0x42: {  	[tilespmem:s13], [sflag:$0x1] =	stream.indirect_vreg.gather [hbm4b:s3+s2], $0x80, v4, vm0, $0xb8;
	[tilespmem:$0xF080] =	vst v63  }
0x43: {  	_ = 	snop  }
0x44: {  	[tilespmem:s14], [sflag:$0x1] =	stream.indirect_vreg.gather [hbm4b:s4+s2], $0x80, v4, vm0, $0xb8;
	[tilespmem:$0xF080] =	vst v63  }
0x45: {  	_ = 	snop  }
0x46: {  	[tilespmem:s15], [sflag:$0x1] =	stream.indirect_vreg.gather [hbm4b:s5+s2], $0x80, v4, vm0, $0xb8;
	[tilespmem:$0xF080] =	vst v63  }
0x47: {  	v3 =	vperm.xlane v3, v2  }
0x48: {  	[tilespmem:s16], [sflag:$0x1] =	stream.indirect_vreg.gather [hbm4b:s6+s2], $0x80, v4, vm0, $0xb8;
	[tilespmem:$0xF080] =	vst v63  }
0x49: {  	v3 =	vadd.s32 v1, v3  }
0x4a: {  	[tilespmem:s17], [sflag:$0x1] =	stream.indirect_vreg.gather [hbm4b:s7+s2], $0x80, v4, vm0, $0xb8;
	[tilespmem:$0xF080] =	vst v63  }
0x4b: {  	_ = 	snop  }
0x4c: {  	[tilespmem:s18], [sflag:$0x1] =	stream.indirect_vreg.gather [hbm4b:s8+s2], $0x80, v4, vm0, $0xb8;
	[tilespmem:$0xF080] =	vst v63  }
0x4d: {  	_ = 	snop  }
0x4e: {  	[tilespmem:s19], [sflag:$0x1] =	stream.indirect_vreg.gather [hbm4b:s3+s2], $0x80, v3, vm0, $0xb8;
	[tilespmem:$0xF080] =	vst v63  }
0x4f: {  	_ = 	snop  }
0x50: {  	[tilespmem:s20], [sflag:$0x1] =	stream.indirect_vreg.gather [hbm4b:s4+s2], $0x80, v3, vm0, $0xb8;
	[tilespmem:$0xF080] =	vst v63  }
0x51: {  	_ = 	snop  }
0x52: {  	[tilespmem:s21], [sflag:$0x1] =	stream.indirect_vreg.gather [hbm4b:s5+s2], $0x80, v3, vm0, $0xb8;
	[tilespmem:$0xF080] =	vst v63  }
0x53: {  	_ = 	snop  }
0x54: {  	[tilespmem:s22], [sflag:$0x1] =	stream.indirect_vreg.gather [hbm4b:s6+s2], $0x80, v3, vm0, $0xb8;
	[tilespmem:$0xF080] =	vst v63  }
0x55: {  	_ = 	snop  }
0x56: {  	[tilespmem:s23], [sflag:$0x1] =	stream.indirect_vreg.gather [hbm4b:s7+s2], $0x80, v3, vm0, $0xb8;
	[tilespmem:$0xF080] =	vst v63  }
0x57: {  	_ = 	snop  }
0x58: {  	[tilespmem:s24], [sflag:$0x1] =	stream.indirect_vreg.gather [hbm4b:s8+s2], $0x80, v3, vm0, $0xb8;
	[tilespmem:$0xF080] =	vst v63  }
0x59: {  	v3 =	vld.msk [tilespmem:$0x20], $0xff;
	_ =	sdelay $0x4  }
0x5a: {  	v63 =	vshrl.u32 v3, $0x3  }
0x5b: {  	v4 =	vmul.u32 $0x60, v63  }
0x5c: {  	v3 =	vand.u32 $0x7, v3  }
0x5d: {  	v3 =	vor.u32 v3, v4  }
0x5e: {  	v3 =	vperm.xlane v3, v0;
	_ =	sdelay $0x1  }
0x5f: {  	v3 =	vadd.s32 v1, v3;
	_ =	sdelay $0x4  }
0x60: {  	[tilespmem:s25], [sflag:$0x1] =	stream.indirect_vreg.gather [hbm4b:s3+s2], $0x80, v3, vm0, $0xb8;
	[tilespmem:$0xF080] =	vst v63  }
0x61: {  	_ = 	snop  }
0x62: {  	[tilespmem:s26], [sflag:$0x1] =	stream.indirect_vreg.gather [hbm4b:s4+s2], $0x80, v3, vm0, $0xb8;
	[tilespmem:$0xF080] =	vst v63  }
0x63: {  	_ = 	snop  }
0x64: {  	[tilespmem:s28], [sflag:$0x1] =	stream.indirect_vreg.gather [hbm4b:s5+s2], $0x80, v3, vm0, $0xb8;
	[tilespmem:$0xF080] =	vst v63  }
0x65: {  	_ = 	snop  }
0x66: {  	[tilespmem:s29], [sflag:$0x1] =	stream.indirect_vreg.gather [hbm4b:s6+s2], $0x80, v3, vm0, $0xb8;
	[tilespmem:$0xF080] =	vst v63  }
0x67: {  	_ = 	snop  }
0x68: {  	[tilespmem:s30], [sflag:$0x1] =	stream.indirect_vreg.gather [hbm4b:s7+s2], $0x80, v3, vm0, $0xb8;
	[tilespmem:$0xF080] =	vst v63  }
0x69: {  	_ = 	snop  }
0x6a: {  	[tilespmem:s31], [sflag:$0x1] =	stream.indirect_vreg.gather [hbm4b:s8+s2], $0x80, v3, vm0, $0xb8;
	[tilespmem:$0xF080] =	vst v63  }
0x6b: {  	_ =	swait.ge [sflag:s1], $0xF000  }
0x6c: {  	p0 =	sne.s32 s9, $0x1;
	[sflag:s1] =	ssyncset.done $0x0  }
.Ltmp0:
0x6d: {  	s12 =	rddreg [dreg:$0x4];
	[sflag:s1] =	ssyncadd.s32 $0xFFFF1000;
	(pc) =	sbr.rel @p0 .LBB2_1-.Ltmp0, $4  }
0x6e: {  	[hbm4b:s12+s2] =	stream.linear.scatter [tilespmem:s11], [sflag:$0x2], $0xF000, $0x38;
	[tilespmem:$0xF080] =	vst v63  }
0x6f: {  	_ =	swait.ge [sflag:s10], $0xF000  }
0x70: {  	[sflag:s10] =	ssyncset.done $0x0  }
0x71: {  	s9 =	sadd.s32 $0xFFFFFFFF, s9;
	[sflag:s10] =	ssyncadd.s32 $0xFFFF1000  }
0x72: {  	_ =	sfence.sel $0x180000  }
0x73: {  	[bflag:$0x0] =	sbarrier.arrive $0xFFFF  }
0x74: {  	_ =	strace $0x90000047  }
0x75: {  	s0 =	stileid.u32;
	[bflag:$0x2] =	sbarrier.arrive $0xFFFF  }
0x76: {  	p0 =	sne.s32 s0, $0x0;
	s0 =	rddreg [dreg:$0x2]  }
0x77: {  	s0 =	sadd.s32 @!p0 $0x100000, s0  }
0x78: {  	[sflag:s0] =	ssyncadd.tile.s32 @!p0 $0x1;
	_ =	shalt  }
.Lfunc_end2:
_tile_overlayer_lowered:
.L_overlay_start_2:
0x79: {  	(tag) =	ssettag $0x2  }
0x7a: {  	s0 =	rddreg [dreg:$0x0];
	s2 =	stileid.u32  }
0x7b: {  	s1 =	rddreg [dreg:$0x1];
	p0 =	sne.s32 s2, $0x0  }
0x7c: {  	s3 =	rddreg [dreg:$0x2];
	[bflag:$0x3] =	sbarrier.arrive $0xFFFF;
	s2 =	simm.s32 @!p0 $0x1C02  }
0x7d: {  	[timem:s3], [sflag:s2] =	dma.local @!p0 [hbm:s0], s1  }
0x7e: {  	s0 =	simm.s32 @!p0 $0x2  }
0x7f: {  	_ =	swait.ge @!p0 [sflag:s0], s1  }
0x80: {  	s1 =	ssub.s32 @!p0 $0x0, s1;
	[sflag:s0] =	ssyncset.done @!p0 $0x0  }
0x81: {  	[sflag:s0] =	ssyncadd.s32 @!p0 s1  }
0x82: {  	[bflag:$0x3] =	sbarrier.arrive $0xFFFF  }
0x83: {  	_ =	shalt  }

</sc_bundles>
